<compile_context>
chip_gen: v7x
topology: tpu7x:2x2x1
jax: 0.10.2.dev20260603
libtpu: 0.0.44.dev20260713+nightly
codegen_flags: <defaults>
</compile_context>

<pallas_src>
import jax
import jax.numpy as jnp
from jax import lax
from jax.experimental import pallas as pl
from jax.experimental.pallas import tpu as pltpu
from jax.experimental.pallas import tpu_sc as plsc

B = 4096
L = 50
EMB = 64
NC, NS = 2, 16
NW = NC * NS
SEQ_W = B // NW
NBUF = 5
AHEAD = 2


def _emb_kernel(src_tbl, tgt_tbl, src_tok, tgt_tok, out,
                idx_v, idx_t, *scratch):
    rows = scratch[:NBUF]
    gsem = scratch[NBUF:2 * NBUF]
    wsem = scratch[2 * NBUF:]
    wid = lax.axis_index("s") * NC + lax.axis_index("c")
    b0 = wid * SEQ_W
    lanes = lax.iota(jnp.int32, 16)

    for t, (tbl, tok) in enumerate(((src_tbl, src_tok), (tgt_tbl, tgt_tok))):
        pltpu.sync_copy(tok.at[pl.ds(b0, SEQ_W)], idx_v)

        @pl.loop(0, L)
        def _(l):
            col = jnp.full((16,), l, jnp.int32)
            for k in range(SEQ_W // 16):
                idx_t[pl.ds(l * SEQ_W + 16 * k, 16)] = plsc.load_gather(
                    idx_v, [lanes + 16 * k, col])

        def gather(l, b):
            pltpu.async_copy(tbl.at[idx_t.at[pl.ds(l * SEQ_W, SEQ_W)]],
                             rows[b], gsem[b])

        def gather_wait(l, b):
            pltpu.make_async_copy(tbl.at[idx_t.at[pl.ds(l * SEQ_W, SEQ_W)]],
                                  rows[b], gsem[b]).wait()

        def wb(l, b):
            pltpu.async_copy(rows[b], out.at[t, l, pl.ds(b0, SEQ_W)],
                             wsem[b])

        def wb_wait(l, b):
            pltpu.make_async_copy(rows[b], out.at[t, l, pl.ds(b0, SEQ_W)],
                                  wsem[b]).wait()

        for b in range(AHEAD):
            gather(b, b)

        @pl.loop(0, L, step=NBUF)
        def _(l0):
            for b in range(NBUF):
                l = l0 + b
                nxt = (b + AHEAD) % NBUF

                @pl.when(l >= NBUF - AHEAD)
                def _():
                    wb_wait(l + AHEAD - NBUF, nxt)

                @pl.when(l < L - AHEAD)
                def _():
                    gather(l + AHEAD, nxt)

                gather_wait(l, b)
                wb(l, b)

        for l in range(L - (NBUF - AHEAD), L):
            wb_wait(l, l % NBUF)


@jax.jit
def kernel(src_tokens, tgt_tokens, src_table, tgt_table):
    mesh = plsc.VectorSubcoreMesh(core_axis_name="c", subcore_axis_name="s")
    y = pl.kernel(
        _emb_kernel,
        out_type=jax.ShapeDtypeStruct((2, L, B, EMB), jnp.float32),
        mesh=mesh,
        scratch_types=(
            [pltpu.VMEM((SEQ_W, L), jnp.int32),
             pltpu.VMEM((SEQ_W * L,), jnp.int32)]
            + [pltpu.VMEM((SEQ_W, EMB), jnp.float32) for _ in range(NBUF)]
            + [pltpu.SemaphoreType.DMA for _ in range(2 * NBUF)]
        ),
        compiler_params=pltpu.CompilerParams(use_tc_tiling_on_sc=False,
                                             needs_layout_passes=False),
    )(src_table, tgt_table, src_tokens.astype(jnp.int32),
      tgt_tokens.astype(jnp.int32))
    return jnp.transpose(y, (0, 2, 1, 3))

# --- scband reference (transcript-rebuilt; emitter-appended) ---
"""Pipeline reference for scband-model-embedding-7198365188285 (READ-ONLY COPY).

The authoritative reference and input builder live on the scoring server;
editing this copy changes nothing except your own understanding.
"""

import jax, jax.numpy as jnp
import numpy as np

SRC_VOCAB = 100000
TGT_VOCAB = 100000
EMB = 64
B = 4096
L = 50
PAD = 0


def setup_inputs(seed: int = 0) -> dict:
    key = jax.random.key(seed)
    k1, k2, k3, k4 = jax.random.split(key, 4)
    src_tokens = jax.random.randint(k1, (B, L), 0, SRC_VOCAB, dtype=jnp.int64 if jax.config.jax_enable_x64 else jnp.int32)
    tgt_tokens = jax.random.randint(k2, (B, L), 0, TGT_VOCAB, dtype=jnp.int64 if jax.config.jax_enable_x64 else jnp.int32)
    src_table = jax.random.normal(k3, (SRC_VOCAB, EMB), dtype=jnp.float32)
    tgt_table = jax.random.normal(k4, (TGT_VOCAB, EMB), dtype=jnp.float32)
    # padding_idx rows are initialized to zero (torch nn.Embedding padding_idx semantics)
    src_table = src_table.at[PAD].set(0.0)
    tgt_table = tgt_table.at[PAD].set(0.0)
    return {"src_tokens": src_tokens, "tgt_tokens": tgt_tokens, "src_table": src_table, "tgt_table": tgt_table}


def reference(src_tokens, tgt_tokens, src_table, tgt_table):
    # ModelEmbedding holds two embedding tables; forward usage is a lookup
    # on source tokens and target tokens respectively.
    src_emb = jnp.take(src_table, src_tokens, axis=0)  # [B, L, EMB]
    tgt_emb = jnp.take(tgt_table, tgt_tokens, axis=0)  # [B, L, EMB]
    # stack so the output is a single array: [2, B, L, EMB]
    return jnp.stack([src_emb, tgt_emb], axis=0)

if __name__ == "__main__":
    import jax
    _d = setup_inputs()
    print(jax.jit(kernel)(*tuple(_d.values())))

</pallas_src>

<mosaic_0001>
#map = affine_map<(d0, d1) -> (0, 0)>
#map1 = affine_map<(d0, d1) -> (0, 0, 0, 0)>
module attributes {stable_mosaic.version = 14 : i64} {
  func.func @_emb_kernel(%arg0: i32, %arg1: i32, %arg2: memref<100000x64xf32, #tpu.memory_space<hbm>>, %arg3: memref<100000x64xf32, #tpu.memory_space<hbm>>, %arg4: memref<4096x50xi32, #tpu.memory_space<hbm>>, %arg5: memref<4096x50xi32, #tpu.memory_space<hbm>>, %arg6: memref<2x50x4096x64xf32, #tpu.memory_space<hbm>>, %arg7: memref<128x50xi32, #tpu.memory_space<vmem>>, %arg8: memref<6400xi32, #tpu.memory_space<vmem>>, %arg9: memref<128x64xf32, #tpu.memory_space<vmem>>, %arg10: memref<128x64xf32, #tpu.memory_space<vmem>>, %arg11: memref<128x64xf32, #tpu.memory_space<vmem>>, %arg12: memref<128x64xf32, #tpu.memory_space<vmem>>, %arg13: memref<128x64xf32, #tpu.memory_space<vmem>>, %arg14: memref<!tpu.dma_semaphore, #tpu.memory_space<semaphore_mem>>, %arg15: memref<!tpu.dma_semaphore, #tpu.memory_space<semaphore_mem>>, %arg16: memref<!tpu.dma_semaphore, #tpu.memory_space<semaphore_mem>>, %arg17: memref<!tpu.dma_semaphore, #tpu.memory_space<semaphore_mem>>, %arg18: memref<!tpu.dma_semaphore, #tpu.memory_space<semaphore_mem>>, %arg19: memref<!tpu.dma_semaphore, #tpu.memory_space<semaphore_mem>>, %arg20: memref<!tpu.dma_semaphore, #tpu.memory_space<semaphore_mem>>, %arg21: memref<!tpu.dma_semaphore, #tpu.memory_space<semaphore_mem>>, %arg22: memref<!tpu.dma_semaphore, #tpu.memory_space<semaphore_mem>>, %arg23: memref<!tpu.dma_semaphore, #tpu.memory_space<semaphore_mem>>) attributes {dimension_semantics = [#tpu.dimension_semantics<core_parallel>, #tpu.dimension_semantics<subcore_parallel>], iteration_bounds = array<i64: 2, 16>, scalar_prefetch = 0 : i64, scratch_operands = 17 : i64, tpu.core_type = #tpu.core_type<sc_vector_subcore>, window_params = [{transform_indices = #map}, {transform_indices = #map}, {transform_indices = #map}, {transform_indices = #map}, {transform_indices = #map1}]} {
    %mul3A = arith.constant 2 : i32
    %mul3A_0 = arith.muli %arg1, %mul3A : i32
    %add3A = arith.addi %mul3A_0, %arg0 : i32
    %mul3A_1 = arith.constant 128 : i32
    %mul3A_2 = arith.muli %add3A, %mul3A_1 : i32
    %iota3A = tpu.iota {dimensions = array<i32: 0>} : vector<16xi32>
    "tpu.region"() ({
      %run_scoped3A = tpu.sem_alloc : memref<!tpu.dma_semaphore, #tpu.memory_space<semaphore_mem>>
      %dma_start3A_88 = arith.constant 0 : i32
      %dma_start3A_89 = tpu.memref_slice %arg4[%mul3A_2, %dma_start3A_88] : memref<4096x50xi32, #tpu.memory_space<hbm>> -> memref<128x50xi32, #tpu.memory_space<hbm>>
      %dma_start3A_90 = arith.constant 0 : i32
      %dma_start3A_91 = tpu.memref_slice %arg4[%mul3A_2, %dma_start3A_90] : memref<4096x50xi32, #tpu.memory_space<hbm>> -> memref<128x50xi32, #tpu.memory_space<hbm>>
      tpu.enqueue_dma source(%dma_start3A_91 : memref<128x50xi32, #tpu.memory_space<hbm>>) target(%arg7 : memref<128x50xi32, #tpu.memory_space<vmem>>) target_semaphore(%run_scoped3A : memref<!tpu.dma_semaphore, #tpu.memory_space<semaphore_mem>>)
      %dma_wait3A_92 = arith.constant 0 : i32
      %dma_wait3A_93 = tpu.memref_slice %arg4[%mul3A_2, %dma_wait3A_92] : memref<4096x50xi32, #tpu.memory_space<hbm>> -> memref<128x50xi32, #tpu.memory_space<hbm>>
      %dma_wait3A_94 = arith.constant 0 : i32
      %dma_wait3A_95 = tpu.memref_slice %arg4[%mul3A_2, %dma_wait3A_94] : memref<4096x50xi32, #tpu.memory_space<hbm>> -> memref<128x50xi32, #tpu.memory_space<hbm>>
      tpu.wait_dma2 semaphore(%run_scoped3A : memref<!tpu.dma_semaphore, #tpu.memory_space<semaphore_mem>>) src(%dma_wait3A_95 : memref<128x50xi32, #tpu.memory_space<hbm>>) dst(%arg7 : memref<128x50xi32, #tpu.memory_space<vmem>>)
      tpu.yield
    }) : () -> ()
    %scan3A = arith.constant 0 : i32
    %scan3A_3 = arith.constant 50 : i32
    %scan3A_4 = arith.addi %scan3A, %scan3A_3 : i32
    %scan3A_5 = arith.constant 1 : i32
    scf.for %scan3A_88 = %scan3A to %scan3A_4 step %scan3A_5  : i32 {
      %mul3A_89 = arith.constant 1 : i32
      %mul3A_90 = arith.muli %scan3A_88, %mul3A_89 : i32
      %add3A_91 = arith.constant 0 : i32
      %add3A_92 = arith.addi %add3A_91, %mul3A_90 : i32
      %broadcast_in_dim3A = vector.broadcast %add3A_92 : i32 to vector<16xi32>
      %add3A_93 = arith.constant 0 : i32
      %add3A_94 = vector.broadcast %add3A_93 : i32 to vector<16xi32>
      %add3A_95 = arith.addi %iota3A, %add3A_94 : vector<16xi32>
      %gather3A = tpu.vector_load_idx %arg7[%add3A_95, %broadcast_in_dim3A] : memref<128x50xi32, #tpu.memory_space<vmem>>[vector<16xi32>, vector<16xi32>], vector<16xi32>,
      %mul3A_96 = arith.constant 128 : i32
      %mul3A_97 = arith.muli %add3A_92, %mul3A_96 : i32
      %add3A_98 = arith.constant 0 : i32
      %add3A_99 = arith.addi %mul3A_97, %add3A_98 : i32
      %swap3A = arith.index_cast %add3A_99 : i32 to index
      %swap3A_100 = tpu.vector_load %arg8[%swap3A] {strides = array<i32>} : memref<6400xi32, #tpu.memory_space<vmem>>, vector<16xi32>,
      tpu.vector_store %arg8[%swap3A], %gather3A {strides = array<i32>} : memref<6400xi32, #tpu.memory_space<vmem>>, vector<16xi32>,
      %add3A_101 = arith.constant 16 : i32
      %add3A_102 = vector.broadcast %add3A_101 : i32 to vector<16xi32>
      %add3A_103 = arith.addi %iota3A, %add3A_102 : vector<16xi32>
      %gather3A_104 = tpu.vector_load_idx %arg7[%add3A_103, %broadcast_in_dim3A] : memref<128x50xi32, #tpu.memory_space<vmem>>[vector<16xi32>, vector<16xi32>], vector<16xi32>,
      %mul3A_105 = arith.constant 128 : i32
      %mul3A_106 = arith.muli %add3A_92, %mul3A_105 : i32
      %add3A_107 = arith.constant 16 : i32
      %add3A_108 = arith.addi %mul3A_106, %add3A_107 : i32
      %swap3A_109 = arith.index_cast %add3A_108 : i32 to index
      %swap3A_110 = tpu.vector_load %arg8[%swap3A_109] {strides = array<i32>} : memref<6400xi32, #tpu.memory_space<vmem>>, vector<16xi32>,
      tpu.vector_store %arg8[%swap3A_109], %gather3A_104 {strides = array<i32>} : memref<6400xi32, #tpu.memory_space<vmem>>, vector<16xi32>,
      %add3A_111 = arith.constant 32 : i32
      %add3A_112 = vector.broadcast %add3A_111 : i32 to vector<16xi32>
      %add3A_113 = arith.addi %iota3A, %add3A_112 : vector<16xi32>
      %gather3A_114 = tpu.vector_load_idx %arg7[%add3A_113, %broadcast_in_dim3A] : memref<128x50xi32, #tpu.memory_space<vmem>>[vector<16xi32>, vector<16xi32>], vector<16xi32>,
      %mul3A_115 = arith.constant 128 : i32
      %mul3A_116 = arith.muli %add3A_92, %mul3A_115 : i32
      %add3A_117 = arith.constant 32 : i32
      %add3A_118 = arith.addi %mul3A_116, %add3A_117 : i32
      %swap3A_119 = arith.index_cast %add3A_118 : i32 to index
      %swap3A_120 = tpu.vector_load %arg8[%swap3A_119] {strides = array<i32>} : memref<6400xi32, #tpu.memory_space<vmem>>, vector<16xi32>,
      tpu.vector_store %arg8[%swap3A_119], %gather3A_114 {strides = array<i32>} : memref<6400xi32, #tpu.memory_space<vmem>>, vector<16xi32>,
      %add3A_121 = arith.constant 48 : i32
      %add3A_122 = vector.broadcast %add3A_121 : i32 to vector<16xi32>
      %add3A_123 = arith.addi %iota3A, %add3A_122 : vector<16xi32>
      %gather3A_124 = tpu.vector_load_idx %arg7[%add3A_123, %broadcast_in_dim3A] : memref<128x50xi32, #tpu.memory_space<vmem>>[vector<16xi32>, vector<16xi32>], vector<16xi32>,
      %mul3A_125 = arith.constant 128 : i32
      %mul3A_126 = arith.muli %add3A_92, %mul3A_125 : i32
      %add3A_127 = arith.constant 48 : i32
      %add3A_128 = arith.addi %mul3A_126, %add3A_127 : i32
      %swap3A_129 = arith.index_cast %add3A_128 : i32 to index
      %swap3A_130 = tpu.vector_load %arg8[%swap3A_129] {strides = array<i32>} : memref<6400xi32, #tpu.memory_space<vmem>>, vector<16xi32>,
      tpu.vector_store %arg8[%swap3A_129], %gather3A_124 {strides = array<i32>} : memref<6400xi32, #tpu.memory_space<vmem>>, vector<16xi32>,
      %add3A_131 = arith.constant 64 : i32
      %add3A_132 = vector.broadcast %add3A_131 : i32 to vector<16xi32>
      %add3A_133 = arith.addi %iota3A, %add3A_132 : vector<16xi32>
      %gather3A_134 = tpu.vector_load_idx %arg7[%add3A_133, %broadcast_in_dim3A] : memref<128x50xi32, #tpu.memory_space<vmem>>[vector<16xi32>, vector<16xi32>], vector<16xi32>,
      %mul3A_135 = arith.constant 128 : i32
      %mul3A_136 = arith.muli %add3A_92, %mul3A_135 : i32
      %add3A_137 = arith.constant 64 : i32
      %add3A_138 = arith.addi %mul3A_136, %add3A_137 : i32
      %swap3A_139 = arith.index_cast %add3A_138 : i32 to index
      %swap3A_140 = tpu.vector_load %arg8[%swap3A_139] {strides = array<i32>} : memref<6400xi32, #tpu.memory_space<vmem>>, vector<16xi32>,
      tpu.vector_store %arg8[%swap3A_139], %gather3A_134 {strides = array<i32>} : memref<6400xi32, #tpu.memory_space<vmem>>, vector<16xi32>,
      %add3A_141 = arith.constant 80 : i32
      %add3A_142 = vector.broadcast %add3A_141 : i32 to vector<16xi32>
      %add3A_143 = arith.addi %iota3A, %add3A_142 : vector<16xi32>
      %gather3A_144 = tpu.vector_load_idx %arg7[%add3A_143, %broadcast_in_dim3A] : memref<128x50xi32, #tpu.memory_space<vmem>>[vector<16xi32>, vector<16xi32>], vector<16xi32>,
      %mul3A_145 = arith.constant 128 : i32
      %mul3A_146 = arith.muli %add3A_92, %mul3A_145 : i32
      %add3A_147 = arith.constant 80 : i32
      %add3A_148 = arith.addi %mul3A_146, %add3A_147 : i32
      %swap3A_149 = arith.index_cast %add3A_148 : i32 to index
      %swap3A_150 = tpu.vector_load %arg8[%swap3A_149] {strides = array<i32>} : memref<6400xi32, #tpu.memory_space<vmem>>, vector<16xi32>,
      tpu.vector_store %arg8[%swap3A_149], %gather3A_144 {strides = array<i32>} : memref<6400xi32, #tpu.memory_space<vmem>>, vector<16xi32>,
      %add3A_151 = arith.constant 96 : i32
      %add3A_152 = vector.broadcast %add3A_151 : i32 to vector<16xi32>
      %add3A_153 = arith.addi %iota3A, %add3A_152 : vector<16xi32>
      %gather3A_154 = tpu.vector_load_idx %arg7[%add3A_153, %broadcast_in_dim3A] : memref<128x50xi32, #tpu.memory_space<vmem>>[vector<16xi32>, vector<16xi32>], vector<16xi32>,
      %mul3A_155 = arith.constant 128 : i32
      %mul3A_156 = arith.muli %add3A_92, %mul3A_155 : i32
      %add3A_157 = arith.constant 96 : i32
      %add3A_158 = arith.addi %mul3A_156, %add3A_157 : i32
      %swap3A_159 = arith.index_cast %add3A_158 : i32 to index
      %swap3A_160 = tpu.vector_load %arg8[%swap3A_159] {strides = array<i32>} : memref<6400xi32, #tpu.memory_space<vmem>>, vector<16xi32>,
      tpu.vector_store %arg8[%swap3A_159], %gather3A_154 {strides = array<i32>} : memref<6400xi32, #tpu.memory_space<vmem>>, vector<16xi32>,
      %add3A_161 = arith.constant 112 : i32
      %add3A_162 = vector.broadcast %add3A_161 : i32 to vector<16xi32>
      %add3A_163 = arith.addi %iota3A, %add3A_162 : vector<16xi32>
      %gather3A_164 = tpu.vector_load_idx %arg7[%add3A_163, %broadcast_in_dim3A] : memref<128x50xi32, #tpu.memory_space<vmem>>[vector<16xi32>, vector<16xi32>], vector<16xi32>,
      %mul3A_165 = arith.constant 128 : i32
      %mul3A_166 = arith.muli %add3A_92, %mul3A_165 : i32
      %add3A_167 = arith.constant 112 : i32
      %add3A_168 = arith.addi %mul3A_166, %add3A_167 : i32
      %swap3A_169 = arith.index_cast %add3A_168 : i32 to index
      %swap3A_170 = tpu.vector_load %arg8[%swap3A_169] {strides = array<i32>} : memref<6400xi32, #tpu.memory_space<vmem>>, vector<16xi32>,
      tpu.vector_store %arg8[%swap3A_169], %gather3A_164 {strides = array<i32>} : memref<6400xi32, #tpu.memory_space<vmem>>, vector<16xi32>,
    }
    %scan3A_6 = arith.constant 50 : i32
    %dma_start3A = arith.constant 0 : i32
    %dma_start3A_7 = tpu.memref_slice %arg8[%dma_start3A] : memref<6400xi32, #tpu.memory_space<vmem>> -> memref<128xi32, #tpu.memory_space<vmem>>
    %dma_start3A_8 = arith.constant 0 : i32
    %dma_start3A_9 = arith.constant 0 : i32
    %dma_start3A_10 = tpu.memref_slice %arg2[%dma_start3A_8, %dma_start3A_9] : memref<100000x64xf32, #tpu.memory_space<hbm>> -> memref<100000x64xf32, #tpu.memory_space<hbm>>
    tpu.enqueue_indirect_dma source(%dma_start3A_10 : memref<100000x64xf32, #tpu.memory_space<hbm>>) target(%arg9 : memref<128x64xf32, #tpu.memory_space<vmem>>) offsets(%dma_start3A_7 : memref<128xi32, #tpu.memory_space<vmem>>) semaphore(%arg14 : memref<!tpu.dma_semaphore, #tpu.memory_space<semaphore_mem>>)
    %dma_start3A_11 = arith.constant 128 : i32
    %dma_start3A_12 = tpu.memref_slice %arg8[%dma_start3A_11] : memref<6400xi32, #tpu.memory_space<vmem>> -> memref<128xi32, #tpu.memory_space<vmem>>
    %dma_start3A_13 = arith.constant 0 : i32
    %dma_start3A_14 = arith.constant 0 : i32
    %dma_start3A_15 = tpu.memref_slice %arg2[%dma_start3A_13, %dma_start3A_14] : memref<100000x64xf32, #tpu.memory_space<hbm>> -> memref<100000x64xf32, #tpu.memory_space<hbm>>
    tpu.enqueue_indirect_dma source(%dma_start3A_15 : memref<100000x64xf32, #tpu.memory_space<hbm>>) target(%arg10 : memref<128x64xf32, #tpu.memory_space<vmem>>) offsets(%dma_start3A_12 : memref<128xi32, #tpu.memory_space<vmem>>) semaphore(%arg15 : memref<!tpu.dma_semaphore, #tpu.memory_space<semaphore_mem>>)
    %scan3A_16 = arith.constant 0 : i32
    %scan3A_17 = arith.constant 10 : i32
    %scan3A_18 = arith.addi %scan3A_16, %scan3A_17 : i32
    %scan3A_19 = arith.constant 1 : i32
    scf.for %scan3A_88 = %scan3A_16 to %scan3A_18 step %scan3A_19  : i32 {
      %mul3A_89 = arith.constant 5 : i32
      %mul3A_90 = arith.muli %scan3A_88, %mul3A_89 : i32
      %add3A_91 = arith.constant 0 : i32
      %add3A_92 = arith.addi %add3A_91, %mul3A_90 : i32
      %add3A_93 = arith.constant 0 : i32
      %add3A_94 = arith.addi %add3A_92, %add3A_93 : i32
      %ge3A = arith.constant 3 : i32
      %ge3A_95 = arith.cmpi sge, %add3A_94, %ge3A : i32
      %convert_element_type3A = arith.extui %ge3A_95 : i1 to i32
      %cond3A = arith.constant 0 : i32
      %cond3A_96 = arith.cmpi ne, %convert_element_type3A, %cond3A : i32
      scf.if %cond3A_96 {
        %add3A_214 = arith.constant 2 : i32
        %add3A_215 = arith.addi %add3A_94, %add3A_214 : i32
        %sub3A = arith.constant 5 : i32
        %sub3A_216 = arith.subi %add3A_215, %sub3A : i32
        %dma_wait3A_217 = arith.constant 0 : i32
        %dma_wait3A_218 = arith.constant 0 : i32
        %dma_wait3A_219 = tpu.memref_slice %arg6[%dma_wait3A_217, %sub3A_216, %mul3A_2, %dma_wait3A_218] : memref<2x50x4096x64xf32, #tpu.memory_space<hbm>> -> memref<1x1x128x64xf32, #tpu.memory_space<hbm>>
        %dma_wait3A_220 = tpu.memref_squeeze %dma_wait3A_219 : memref<1x1x128x64xf32, #tpu.memory_space<hbm>> -> memref<128x64xf32, #tpu.memory_space<hbm>>
        %dma_wait3A_221 = arith.constant 0 : i32
        %dma_wait3A_222 = tpu.memref_slice %arg6[%dma_wait3A_217, %sub3A_216, %mul3A_2, %dma_wait3A_221] : memref<2x50x4096x64xf32, #tpu.memory_space<hbm>> -> memref<1x1x128x64xf32, #tpu.memory_space<hbm>>
        %dma_wait3A_223 = tpu.memref_squeeze %dma_wait3A_222 : memref<1x1x128x64xf32, #tpu.memory_space<hbm>> -> memref<128x64xf32, #tpu.memory_space<hbm>>
        tpu.wait_dma2 semaphore(%arg21 : memref<!tpu.dma_semaphore, #tpu.memory_space<semaphore_mem>>) src(%arg11 : memref<128x64xf32, #tpu.memory_space<vmem>>) dst(%dma_wait3A_223 : memref<128x64xf32, #tpu.memory_space<hbm>>)
      } else {
      }
      %lt3A = arith.constant 48 : i32
      %lt3A_97 = arith.cmpi slt, %add3A_94, %lt3A : i32
      %convert_element_type3A_98 = arith.extui %lt3A_97 : i1 to i32
      %cond3A_99 = arith.constant 0 : i32
      %cond3A_100 = arith.cmpi ne, %convert_element_type3A_98, %cond3A_99 : i32
      scf.if %cond3A_100 {
        %add3A_214 = arith.constant 2 : i32
        %add3A_215 = arith.addi %add3A_94, %add3A_214 : i32
        %mul3A_216 = arith.constant 128 : i32
        %mul3A_217 = arith.muli %add3A_215, %mul3A_216 : i32
        %dma_start3A_218 = tpu.memref_slice %arg8[%mul3A_217] : memref<6400xi32, #tpu.memory_space<vmem>> -> memref<128xi32, #tpu.memory_space<vmem>>
        %dma_start3A_219 = arith.constant 0 : i32
        %dma_start3A_220 = arith.constant 0 : i32
        %dma_start3A_221 = tpu.memref_slice %arg2[%dma_start3A_219, %dma_start3A_220] : memref<100000x64xf32, #tpu.memory_space<hbm>> -> memref<100000x64xf32, #tpu.memory_space<hbm>>
        tpu.enqueue_indirect_dma source(%dma_start3A_221 : memref<100000x64xf32, #tpu.memory_space<hbm>>) target(%arg11 : memref<128x64xf32, #tpu.memory_space<vmem>>) offsets(%dma_start3A_218 : memref<128xi32, #tpu.memory_space<vmem>>) semaphore(%arg16 : memref<!tpu.dma_semaphore, #tpu.memory_space<semaphore_mem>>)
      } else {
      }
      %mul3A_101 = arith.constant 128 : i32
      %mul3A_102 = arith.muli %add3A_94, %mul3A_101 : i32
      %dma_wait3A_103 = tpu.memref_slice %arg8[%mul3A_102] : memref<6400xi32, #tpu.memory_space<vmem>> -> memref<128xi32, #tpu.memory_space<vmem>>
      %dma_wait3A_104 = arith.constant 0 : i32
      %dma_wait3A_105 = arith.constant 0 : i32
      %dma_wait3A_106 = tpu.memref_slice %arg2[%dma_wait3A_104, %dma_wait3A_105] : memref<100000x64xf32, #tpu.memory_space<hbm>> -> memref<100000x64xf32, #tpu.memory_space<hbm>>
      tpu.wait_indirect_dma semaphore(%arg14 : memref<!tpu.dma_semaphore, #tpu.memory_space<semaphore_mem>>) src(%dma_wait3A_106 : memref<100000x64xf32, #tpu.memory_space<hbm>>) dst(%arg9 : memref<128x64xf32, #tpu.memory_space<vmem>>)
      %dma_start3A_107 = arith.constant 0 : i32
      %dma_start3A_108 = arith.constant 0 : i32
      %dma_start3A_109 = tpu.memref_slice %arg6[%dma_start3A_107, %add3A_94, %mul3A_2, %dma_start3A_108] : memref<2x50x4096x64xf32, #tpu.memory_space<hbm>> -> memref<1x1x128x64xf32, #tpu.memory_space<hbm>>
      %dma_start3A_110 = tpu.memref_squeeze %dma_start3A_109 : memref<1x1x128x64xf32, #tpu.memory_space<hbm>> -> memref<128x64xf32, #tpu.memory_space<hbm>>
      %dma_start3A_111 = arith.constant 0 : i32
      %dma_start3A_112 = tpu.memref_slice %arg6[%dma_start3A_107, %add3A_94, %mul3A_2, %dma_start3A_111] : memref<2x50x4096x64xf32, #tpu.memory_space<hbm>> -> memref<1x1x128x64xf32, #tpu.memory_space<hbm>>
      %dma_start3A_113 = tpu.memref_squeeze %dma_start3A_112 : memref<1x1x128x64xf32, #tpu.memory_space<hbm>> -> memref<128x64xf32, #tpu.memory_space<hbm>>
      tpu.enqueue_dma source(%arg9 : memref<128x64xf32, #tpu.memory_space<vmem>>) target(%dma_start3A_113 : memref<128x64xf32, #tpu.memory_space<hbm>>) target_semaphore(%arg19 : memref<!tpu.dma_semaphore, #tpu.memory_space<semaphore_mem>>)
      %add3A_114 = arith.constant 1 : i32
      %add3A_115 = arith.addi %add3A_92, %add3A_114 : i32
      %ge3A_116 = arith.constant 3 : i32
      %ge3A_117 = arith.cmpi sge, %add3A_115, %ge3A_116 : i32
      %convert_element_type3A_118 = arith.extui %ge3A_117 : i1 to i32
      %cond3A_119 = arith.constant 0 : i32
      %cond3A_120 = arith.cmpi ne, %convert_element_type3A_118, %cond3A_119 : i32
      scf.if %cond3A_120 {
        %add3A_214 = arith.constant 2 : i32
        %add3A_215 = arith.addi %add3A_115, %add3A_214 : i32
        %sub3A = arith.constant 5 : i32
        %sub3A_216 = arith.subi %add3A_215, %sub3A : i32
        %dma_wait3A_217 = arith.constant 0 : i32
        %dma_wait3A_218 = arith.constant 0 : i32
        %dma_wait3A_219 = tpu.memref_slice %arg6[%dma_wait3A_217, %sub3A_216, %mul3A_2, %dma_wait3A_218] : memref<2x50x4096x64xf32, #tpu.memory_space<hbm>> -> memref<1x1x128x64xf32, #tpu.memory_space<hbm>>
        %dma_wait3A_220 = tpu.memref_squeeze %dma_wait3A_219 : memref<1x1x128x64xf32, #tpu.memory_space<hbm>> -> memref<128x64xf32, #tpu.memory_space<hbm>>
        %dma_wait3A_221 = arith.constant 0 : i32
        %dma_wait3A_222 = tpu.memref_slice %arg6[%dma_wait3A_217, %sub3A_216, %mul3A_2, %dma_wait3A_221] : memref<2x50x4096x64xf32, #tpu.memory_space<hbm>> -> memref<1x1x128x64xf32, #tpu.memory_space<hbm>>
        %dma_wait3A_223 = tpu.memref_squeeze %dma_wait3A_222 : memref<1x1x128x64xf32, #tpu.memory_space<hbm>> -> memref<128x64xf32, #tpu.memory_space<hbm>>
        tpu.wait_dma2 semaphore(%arg22 : memref<!tpu.dma_semaphore, #tpu.memory_space<semaphore_mem>>) src(%arg12 : memref<128x64xf32, #tpu.memory_space<vmem>>) dst(%dma_wait3A_223 : memref<128x64xf32, #tpu.memory_space<hbm>>)
      } else {
      }
      %lt3A_121 = arith.constant 48 : i32
      %lt3A_122 = arith.cmpi slt, %add3A_115, %lt3A_121 : i32
      %convert_element_type3A_123 = arith.extui %lt3A_122 : i1 to i32
      %cond3A_124 = arith.constant 0 : i32
      %cond3A_125 = arith.cmpi ne, %convert_element_type3A_123, %cond3A_124 : i32
      scf.if %cond3A_125 {
        %add3A_214 = arith.constant 2 : i32
        %add3A_215 = arith.addi %add3A_115, %add3A_214 : i32
        %mul3A_216 = arith.constant 128 : i32
        %mul3A_217 = arith.muli %add3A_215, %mul3A_216 : i32
        %dma_start3A_218 = tpu.memref_slice %arg8[%mul3A_217] : memref<6400xi32, #tpu.memory_space<vmem>> -> memref<128xi32, #tpu.memory_space<vmem>>
        %dma_start3A_219 = arith.constant 0 : i32
        %dma_start3A_220 = arith.constant 0 : i32
        %dma_start3A_221 = tpu.memref_slice %arg2[%dma_start3A_219, %dma_start3A_220] : memref<100000x64xf32, #tpu.memory_space<hbm>> -> memref<100000x64xf32, #tpu.memory_space<hbm>>
        tpu.enqueue_indirect_dma source(%dma_start3A_221 : memref<100000x64xf32, #tpu.memory_space<hbm>>) target(%arg12 : memref<128x64xf32, #tpu.memory_space<vmem>>) offsets(%dma_start3A_218 : memref<128xi32, #tpu.memory_space<vmem>>) semaphore(%arg17 : memref<!tpu.dma_semaphore, #tpu.memory_space<semaphore_mem>>)
      } else {
      }
      %mul3A_126 = arith.constant 128 : i32
      %mul3A_127 = arith.muli %add3A_115, %mul3A_126 : i32
      %dma_wait3A_128 = tpu.memref_slice %arg8[%mul3A_127] : memref<6400xi32, #tpu.memory_space<vmem>> -> memref<128xi32, #tpu.memory_space<vmem>>
      %dma_wait3A_129 = arith.constant 0 : i32
      %dma_wait3A_130 = arith.constant 0 : i32
      %dma_wait3A_131 = tpu.memref_slice %arg2[%dma_wait3A_129, %dma_wait3A_130] : memref<100000x64xf32, #tpu.memory_space<hbm>> -> memref<100000x64xf32, #tpu.memory_space<hbm>>
      tpu.wait_indirect_dma semaphore(%arg15 : memref<!tpu.dma_semaphore, #tpu.memory_space<semaphore_mem>>) src(%dma_wait3A_131 : memref<100000x64xf32, #tpu.memory_space<hbm>>) dst(%arg10 : memref<128x64xf32, #tpu.memory_space<vmem>>)
      %dma_start3A_132 = arith.constant 0 : i32
      %dma_start3A_133 = arith.constant 0 : i32
      %dma_start3A_134 = tpu.memref_slice %arg6[%dma_start3A_132, %add3A_115, %mul3A_2, %dma_start3A_133] : memref<2x50x4096x64xf32, #tpu.memory_space<hbm>> -> memref<1x1x128x64xf32, #tpu.memory_space<hbm>>
      %dma_start3A_135 = tpu.memref_squeeze %dma_start3A_134 : memref<1x1x128x64xf32, #tpu.memory_space<hbm>> -> memref<128x64xf32, #tpu.memory_space<hbm>>
      %dma_start3A_136 = arith.constant 0 : i32
      %dma_start3A_137 = tpu.memref_slice %arg6[%dma_start3A_132, %add3A_115, %mul3A_2, %dma_start3A_136] : memref<2x50x4096x64xf32, #tpu.memory_space<hbm>> -> memref<1x1x128x64xf32, #tpu.memory_space<hbm>>
      %dma_start3A_138 = tpu.memref_squeeze %dma_start3A_137 : memref<1x1x128x64xf32, #tpu.memory_space<hbm>> -> memref<128x64xf32, #tpu.memory_space<hbm>>
      tpu.enqueue_dma source(%arg10 : memref<128x64xf32, #tpu.memory_space<vmem>>) target(%dma_start3A_138 : memref<128x64xf32, #tpu.memory_space<hbm>>) target_semaphore(%arg20 : memref<!tpu.dma_semaphore, #tpu.memory_space<semaphore_mem>>)
      %add3A_139 = arith.constant 2 : i32
      %add3A_140 = arith.addi %add3A_92, %add3A_139 : i32
      %ge3A_141 = arith.constant 3 : i32
      %ge3A_142 = arith.cmpi sge, %add3A_140, %ge3A_141 : i32
      %convert_element_type3A_143 = arith.extui %ge3A_142 : i1 to i32
      %cond3A_144 = arith.constant 0 : i32
      %cond3A_145 = arith.cmpi ne, %convert_element_type3A_143, %cond3A_144 : i32
      scf.if %cond3A_145 {
        %add3A_214 = arith.constant 2 : i32
        %add3A_215 = arith.addi %add3A_140, %add3A_214 : i32
        %sub3A = arith.constant 5 : i32
        %sub3A_216 = arith.subi %add3A_215, %sub3A : i32
        %dma_wait3A_217 = arith.constant 0 : i32
        %dma_wait3A_218 = arith.constant 0 : i32
        %dma_wait3A_219 = tpu.memref_slice %arg6[%dma_wait3A_217, %sub3A_216, %mul3A_2, %dma_wait3A_218] : memref<2x50x4096x64xf32, #tpu.memory_space<hbm>> -> memref<1x1x128x64xf32, #tpu.memory_space<hbm>>
        %dma_wait3A_220 = tpu.memref_squeeze %dma_wait3A_219 : memref<1x1x128x64xf32, #tpu.memory_space<hbm>> -> memref<128x64xf32, #tpu.memory_space<hbm>>
        %dma_wait3A_221 = arith.constant 0 : i32
        %dma_wait3A_222 = tpu.memref_slice %arg6[%dma_wait3A_217, %sub3A_216, %mul3A_2, %dma_wait3A_221] : memref<2x50x4096x64xf32, #tpu.memory_space<hbm>> -> memref<1x1x128x64xf32, #tpu.memory_space<hbm>>
        %dma_wait3A_223 = tpu.memref_squeeze %dma_wait3A_222 : memref<1x1x128x64xf32, #tpu.memory_space<hbm>> -> memref<128x64xf32, #tpu.memory_space<hbm>>
        tpu.wait_dma2 semaphore(%arg23 : memref<!tpu.dma_semaphore, #tpu.memory_space<semaphore_mem>>) src(%arg13 : memref<128x64xf32, #tpu.memory_space<vmem>>) dst(%dma_wait3A_223 : memref<128x64xf32, #tpu.memory_space<hbm>>)
      } else {
      }
      %lt3A_146 = arith.constant 48 : i32
      %lt3A_147 = arith.cmpi slt, %add3A_140, %lt3A_146 : i32
      %convert_element_type3A_148 = arith.extui %lt3A_147 : i1 to i32
      %cond3A_149 = arith.constant 0 : i32
      %cond3A_150 = arith.cmpi ne, %convert_element_type3A_148, %cond3A_149 : i32
      scf.if %cond3A_150 {
        %add3A_214 = arith.constant 2 : i32
        %add3A_215 = arith.addi %add3A_140, %add3A_214 : i32
        %mul3A_216 = arith.constant 128 : i32
        %mul3A_217 = arith.muli %add3A_215, %mul3A_216 : i32
        %dma_start3A_218 = tpu.memref_slice %arg8[%mul3A_217] : memref<6400xi32, #tpu.memory_space<vmem>> -> memref<128xi32, #tpu.memory_space<vmem>>
        %dma_start3A_219 = arith.constant 0 : i32
        %dma_start3A_220 = arith.constant 0 : i32
        %dma_start3A_221 = tpu.memref_slice %arg2[%dma_start3A_219, %dma_start3A_220] : memref<100000x64xf32, #tpu.memory_space<hbm>> -> memref<100000x64xf32, #tpu.memory_space<hbm>>
        tpu.enqueue_indirect_dma source(%dma_start3A_221 : memref<100000x64xf32, #tpu.memory_space<hbm>>) target(%arg13 : memref<128x64xf32, #tpu.memory_space<vmem>>) offsets(%dma_start3A_218 : memref<128xi32, #tpu.memory_space<vmem>>) semaphore(%arg18 : memref<!tpu.dma_semaphore, #tpu.memory_space<semaphore_mem>>)
      } else {
      }
      %mul3A_151 = arith.constant 128 : i32
      %mul3A_152 = arith.muli %add3A_140, %mul3A_151 : i32
      %dma_wait3A_153 = tpu.memref_slice %arg8[%mul3A_152] : memref<6400xi32, #tpu.memory_space<vmem>> -> memref<128xi32, #tpu.memory_space<vmem>>
      %dma_wait3A_154 = arith.constant 0 : i32
      %dma_wait3A_155 = arith.constant 0 : i32
      %dma_wait3A_156 = tpu.memref_slice %arg2[%dma_wait3A_154, %dma_wait3A_155] : memref<100000x64xf32, #tpu.memory_space<hbm>> -> memref<100000x64xf32, #tpu.memory_space<hbm>>
      tpu.wait_indirect_dma semaphore(%arg16 : memref<!tpu.dma_semaphore, #tpu.memory_space<semaphore_mem>>) src(%dma_wait3A_156 : memref<100000x64xf32, #tpu.memory_space<hbm>>) dst(%arg11 : memref<128x64xf32, #tpu.memory_space<vmem>>)
      %dma_start3A_157 = arith.constant 0 : i32
      %dma_start3A_158 = arith.constant 0 : i32
      %dma_start3A_159 = tpu.memref_slice %arg6[%dma_start3A_157, %add3A_140, %mul3A_2, %dma_start3A_158] : memref<2x50x4096x64xf32, #tpu.memory_space<hbm>> -> memref<1x1x128x64xf32, #tpu.memory_space<hbm>>
      %dma_start3A_160 = tpu.memref_squeeze %dma_start3A_159 : memref<1x1x128x64xf32, #tpu.memory_space<hbm>> -> memref<128x64xf32, #tpu.memory_space<hbm>>
      %dma_start3A_161 = arith.constant 0 : i32
      %dma_start3A_162 = tpu.memref_slice %arg6[%dma_start3A_157, %add3A_140, %mul3A_2, %dma_start3A_161] : memref<2x50x4096x64xf32, #tpu.memory_space<hbm>> -> memref<1x1x128x64xf32, #tpu.memory_space<hbm>>
      %dma_start3A_163 = tpu.memref_squeeze %dma_start3A_162 : memref<1x1x128x64xf32, #tpu.memory_space<hbm>> -> memref<128x64xf32, #tpu.memory_space<hbm>>
      tpu.enqueue_dma source(%arg11 : memref<128x64xf32, #tpu.memory_space<vmem>>) target(%dma_start3A_163 : memref<128x64xf32, #tpu.memory_space<hbm>>) target_semaphore(%arg21 : memref<!tpu.dma_semaphore, #tpu.memory_space<semaphore_mem>>)
      %add3A_164 = arith.constant 3 : i32
      %add3A_165 = arith.addi %add3A_92, %add3A_164 : i32
      %ge3A_166 = arith.constant 3 : i32
      %ge3A_167 = arith.cmpi sge, %add3A_165, %ge3A_166 : i32
      %convert_element_type3A_168 = arith.extui %ge3A_167 : i1 to i32
      %cond3A_169 = arith.constant 0 : i32
      %cond3A_170 = arith.cmpi ne, %convert_element_type3A_168, %cond3A_169 : i32
      scf.if %cond3A_170 {
        %add3A_214 = arith.constant 2 : i32
        %add3A_215 = arith.addi %add3A_165, %add3A_214 : i32
        %sub3A = arith.constant 5 : i32
        %sub3A_216 = arith.subi %add3A_215, %sub3A : i32
        %dma_wait3A_217 = arith.constant 0 : i32
        %dma_wait3A_218 = arith.constant 0 : i32
        %dma_wait3A_219 = tpu.memref_slice %arg6[%dma_wait3A_217, %sub3A_216, %mul3A_2, %dma_wait3A_218] : memref<2x50x4096x64xf32, #tpu.memory_space<hbm>> -> memref<1x1x128x64xf32, #tpu.memory_space<hbm>>
        %dma_wait3A_220 = tpu.memref_squeeze %dma_wait3A_219 : memref<1x1x128x64xf32, #tpu.memory_space<hbm>> -> memref<128x64xf32, #tpu.memory_space<hbm>>
        %dma_wait3A_221 = arith.constant 0 : i32
        %dma_wait3A_222 = tpu.memref_slice %arg6[%dma_wait3A_217, %sub3A_216, %mul3A_2, %dma_wait3A_221] : memref<2x50x4096x64xf32, #tpu.memory_space<hbm>> -> memref<1x1x128x64xf32, #tpu.memory_space<hbm>>
        %dma_wait3A_223 = tpu.memref_squeeze %dma_wait3A_222 : memref<1x1x128x64xf32, #tpu.memory_space<hbm>> -> memref<128x64xf32, #tpu.memory_space<hbm>>
        tpu.wait_dma2 semaphore(%arg19 : memref<!tpu.dma_semaphore, #tpu.memory_space<semaphore_mem>>) src(%arg9 : memref<128x64xf32, #tpu.memory_space<vmem>>) dst(%dma_wait3A_223 : memref<128x64xf32, #tpu.memory_space<hbm>>)
      } else {
      }
      %lt3A_171 = arith.constant 48 : i32
      %lt3A_172 = arith.cmpi slt, %add3A_165, %lt3A_171 : i32
      %convert_element_type3A_173 = arith.extui %lt3A_172 : i1 to i32
      %cond3A_174 = arith.constant 0 : i32
      %cond3A_175 = arith.cmpi ne, %convert_element_type3A_173, %cond3A_174 : i32
      scf.if %cond3A_175 {
        %add3A_214 = arith.constant 2 : i32
        %add3A_215 = arith.addi %add3A_165, %add3A_214 : i32
        %mul3A_216 = arith.constant 128 : i32
        %mul3A_217 = arith.muli %add3A_215, %mul3A_216 : i32
        %dma_start3A_218 = tpu.memref_slice %arg8[%mul3A_217] : memref<6400xi32, #tpu.memory_space<vmem>> -> memref<128xi32, #tpu.memory_space<vmem>>
        %dma_start3A_219 = arith.constant 0 : i32
        %dma_start3A_220 = arith.constant 0 : i32
        %dma_start3A_221 = tpu.memref_slice %arg2[%dma_start3A_219, %dma_start3A_220] : memref<100000x64xf32, #tpu.memory_space<hbm>> -> memref<100000x64xf32, #tpu.memory_space<hbm>>
        tpu.enqueue_indirect_dma source(%dma_start3A_221 : memref<100000x64xf32, #tpu.memory_space<hbm>>) target(%arg9 : memref<128x64xf32, #tpu.memory_space<vmem>>) offsets(%dma_start3A_218 : memref<128xi32, #tpu.memory_space<vmem>>) semaphore(%arg14 : memref<!tpu.dma_semaphore, #tpu.memory_space<semaphore_mem>>)
      } else {
      }
      %mul3A_176 = arith.constant 128 : i32
      %mul3A_177 = arith.muli %add3A_165, %mul3A_176 : i32
      %dma_wait3A_178 = tpu.memref_slice %arg8[%mul3A_177] : memref<6400xi32, #tpu.memory_space<vmem>> -> memref<128xi32, #tpu.memory_space<vmem>>
      %dma_wait3A_179 = arith.constant 0 : i32
      %dma_wait3A_180 = arith.constant 0 : i32
      %dma_wait3A_181 = tpu.memref_slice %arg2[%dma_wait3A_179, %dma_wait3A_180] : memref<100000x64xf32, #tpu.memory_space<hbm>> -> memref<100000x64xf32, #tpu.memory_space<hbm>>
      tpu.wait_indirect_dma semaphore(%arg17 : memref<!tpu.dma_semaphore, #tpu.memory_space<semaphore_mem>>) src(%dma_wait3A_181 : memref<100000x64xf32, #tpu.memory_space<hbm>>) dst(%arg12 : memref<128x64xf32, #tpu.memory_space<vmem>>)
      %dma_start3A_182 = arith.constant 0 : i32
      %dma_start3A_183 = arith.constant 0 : i32
      %dma_start3A_184 = tpu.memref_slice %arg6[%dma_start3A_182, %add3A_165, %mul3A_2, %dma_start3A_183] : memref<2x50x4096x64xf32, #tpu.memory_space<hbm>> -> memref<1x1x128x64xf32, #tpu.memory_space<hbm>>
      %dma_start3A_185 = tpu.memref_squeeze %dma_start3A_184 : memref<1x1x128x64xf32, #tpu.memory_space<hbm>> -> memref<128x64xf32, #tpu.memory_space<hbm>>
      %dma_start3A_186 = arith.constant 0 : i32
      %dma_start3A_187 = tpu.memref_slice %arg6[%dma_start3A_182, %add3A_165, %mul3A_2, %dma_start3A_186] : memref<2x50x4096x64xf32, #tpu.memory_space<hbm>> -> memref<1x1x128x64xf32, #tpu.memory_space<hbm>>
      %dma_start3A_188 = tpu.memref_squeeze %dma_start3A_187 : memref<1x1x128x64xf32, #tpu.memory_space<hbm>> -> memref<128x64xf32, #tpu.memory_space<hbm>>
      tpu.enqueue_dma source(%arg12 : memref<128x64xf32, #tpu.memory_space<vmem>>) target(%dma_start3A_188 : memref<128x64xf32, #tpu.memory_space<hbm>>) target_semaphore(%arg22 : memref<!tpu.dma_semaphore, #tpu.memory_space<semaphore_mem>>)
      %add3A_189 = arith.constant 4 : i32
      %add3A_190 = arith.addi %add3A_92, %add3A_189 : i32
      %ge3A_191 = arith.constant 3 : i32
      %ge3A_192 = arith.cmpi sge, %add3A_190, %ge3A_191 : i32
      %convert_element_type3A_193 = arith.extui %ge3A_192 : i1 to i32
      %cond3A_194 = arith.constant 0 : i32
      %cond3A_195 = arith.cmpi ne, %convert_element_type3A_193, %cond3A_194 : i32
      scf.if %cond3A_195 {
        %add3A_214 = arith.constant 2 : i32
        %add3A_215 = arith.addi %add3A_190, %add3A_214 : i32
        %sub3A = arith.constant 5 : i32
        %sub3A_216 = arith.subi %add3A_215, %sub3A : i32
        %dma_wait3A_217 = arith.constant 0 : i32
        %dma_wait3A_218 = arith.constant 0 : i32
        %dma_wait3A_219 = tpu.memref_slice %arg6[%dma_wait3A_217, %sub3A_216, %mul3A_2, %dma_wait3A_218] : memref<2x50x4096x64xf32, #tpu.memory_space<hbm>> -> memref<1x1x128x64xf32, #tpu.memory_space<hbm>>
        %dma_wait3A_220 = tpu.memref_squeeze %dma_wait3A_219 : memref<1x1x128x64xf32, #tpu.memory_space<hbm>> -> memref<128x64xf32, #tpu.memory_space<hbm>>
        %dma_wait3A_221 = arith.constant 0 : i32
        %dma_wait3A_222 = tpu.memref_slice %arg6[%dma_wait3A_217, %sub3A_216, %mul3A_2, %dma_wait3A_221] : memref<2x50x4096x64xf32, #tpu.memory_space<hbm>> -> memref<1x1x128x64xf32, #tpu.memory_space<hbm>>
        %dma_wait3A_223 = tpu.memref_squeeze %dma_wait3A_222 : memref<1x1x128x64xf32, #tpu.memory_space<hbm>> -> memref<128x64xf32, #tpu.memory_space<hbm>>
        tpu.wait_dma2 semaphore(%arg20 : memref<!tpu.dma_semaphore, #tpu.memory_space<semaphore_mem>>) src(%arg10 : memref<128x64xf32, #tpu.memory_space<vmem>>) dst(%dma_wait3A_223 : memref<128x64xf32, #tpu.memory_space<hbm>>)
      } else {
      }
      %lt3A_196 = arith.constant 48 : i32
      %lt3A_197 = arith.cmpi slt, %add3A_190, %lt3A_196 : i32
      %convert_element_type3A_198 = arith.extui %lt3A_197 : i1 to i32
      %cond3A_199 = arith.constant 0 : i32
      %cond3A_200 = arith.cmpi ne, %convert_element_type3A_198, %cond3A_199 : i32
      scf.if %cond3A_200 {
        %add3A_214 = arith.constant 2 : i32
        %add3A_215 = arith.addi %add3A_190, %add3A_214 : i32
        %mul3A_216 = arith.constant 128 : i32
        %mul3A_217 = arith.muli %add3A_215, %mul3A_216 : i32
        %dma_start3A_218 = tpu.memref_slice %arg8[%mul3A_217] : memref<6400xi32, #tpu.memory_space<vmem>> -> memref<128xi32, #tpu.memory_space<vmem>>
        %dma_start3A_219 = arith.constant 0 : i32
        %dma_start3A_220 = arith.constant 0 : i32
        %dma_start3A_221 = tpu.memref_slice %arg2[%dma_start3A_219, %dma_start3A_220] : memref<100000x64xf32, #tpu.memory_space<hbm>> -> memref<100000x64xf32, #tpu.memory_space<hbm>>
        tpu.enqueue_indirect_dma source(%dma_start3A_221 : memref<100000x64xf32, #tpu.memory_space<hbm>>) target(%arg10 : memref<128x64xf32, #tpu.memory_space<vmem>>) offsets(%dma_start3A_218 : memref<128xi32, #tpu.memory_space<vmem>>) semaphore(%arg15 : memref<!tpu.dma_semaphore, #tpu.memory_space<semaphore_mem>>)
      } else {
      }
      %mul3A_201 = arith.constant 128 : i32
      %mul3A_202 = arith.muli %add3A_190, %mul3A_201 : i32
      %dma_wait3A_203 = tpu.memref_slice %arg8[%mul3A_202] : memref<6400xi32, #tpu.memory_space<vmem>> -> memref<128xi32, #tpu.memory_space<vmem>>
      %dma_wait3A_204 = arith.constant 0 : i32
      %dma_wait3A_205 = arith.constant 0 : i32
      %dma_wait3A_206 = tpu.memref_slice %arg2[%dma_wait3A_204, %dma_wait3A_205] : memref<100000x64xf32, #tpu.memory_space<hbm>> -> memref<100000x64xf32, #tpu.memory_space<hbm>>
      tpu.wait_indirect_dma semaphore(%arg18 : memref<!tpu.dma_semaphore, #tpu.memory_space<semaphore_mem>>) src(%dma_wait3A_206 : memref<100000x64xf32, #tpu.memory_space<hbm>>) dst(%arg13 : memref<128x64xf32, #tpu.memory_space<vmem>>)
      %dma_start3A_207 = arith.constant 0 : i32
      %dma_start3A_208 = arith.constant 0 : i32
      %dma_start3A_209 = tpu.memref_slice %arg6[%dma_start3A_207, %add3A_190, %mul3A_2, %dma_start3A_208] : memref<2x50x4096x64xf32, #tpu.memory_space<hbm>> -> memref<1x1x128x64xf32, #tpu.memory_space<hbm>>
      %dma_start3A_210 = tpu.memref_squeeze %dma_start3A_209 : memref<1x1x128x64xf32, #tpu.memory_space<hbm>> -> memref<128x64xf32, #tpu.memory_space<hbm>>
      %dma_start3A_211 = arith.constant 0 : i32
      %dma_start3A_212 = tpu.memref_slice %arg6[%dma_start3A_207, %add3A_190, %mul3A_2, %dma_start3A_211] : memref<2x50x4096x64xf32, #tpu.memory_space<hbm>> -> memref<1x1x128x64xf32, #tpu.memory_space<hbm>>
      %dma_start3A_213 = tpu.memref_squeeze %dma_start3A_212 : memref<1x1x128x64xf32, #tpu.memory_space<hbm>> -> memref<128x64xf32, #tpu.memory_space<hbm>>
      tpu.enqueue_dma source(%arg13 : memref<128x64xf32, #tpu.memory_space<vmem>>) target(%dma_start3A_213 : memref<128x64xf32, #tpu.memory_space<hbm>>) target_semaphore(%arg23 : memref<!tpu.dma_semaphore, #tpu.memory_space<semaphore_mem>>)
    }
    %scan3A_20 = arith.constant 10 : i32
    %dma_wait3A = arith.constant 0 : i32
    %dma_wait3A_21 = arith.constant 47 : i32
    %dma_wait3A_22 = arith.constant 0 : i32
    %dma_wait3A_23 = tpu.memref_slice %arg6[%dma_wait3A, %dma_wait3A_21, %mul3A_2, %dma_wait3A_22] : memref<2x50x4096x64xf32, #tpu.memory_space<hbm>> -> memref<1x1x128x64xf32, #tpu.memory_space<hbm>>
    %dma_wait3A_24 = tpu.memref_squeeze %dma_wait3A_23 : memref<1x1x128x64xf32, #tpu.memory_space<hbm>> -> memref<128x64xf32, #tpu.memory_space<hbm>>
    %dma_wait3A_25 = arith.constant 0 : i32
    %dma_wait3A_26 = tpu.memref_slice %arg6[%dma_wait3A, %dma_wait3A_21, %mul3A_2, %dma_wait3A_25] : memref<2x50x4096x64xf32, #tpu.memory_space<hbm>> -> memref<1x1x128x64xf32, #tpu.memory_space<hbm>>
    %dma_wait3A_27 = tpu.memref_squeeze %dma_wait3A_26 : memref<1x1x128x64xf32, #tpu.memory_space<hbm>> -> memref<128x64xf32, #tpu.memory_space<hbm>>
    tpu.wait_dma2 semaphore(%arg21 : memref<!tpu.dma_semaphore, #tpu.memory_space<semaphore_mem>>) src(%arg11 : memref<128x64xf32, #tpu.memory_space<vmem>>) dst(%dma_wait3A_27 : memref<128x64xf32, #tpu.memory_space<hbm>>)
    %dma_wait3A_28 = arith.constant 0 : i32
    %dma_wait3A_29 = arith.constant 48 : i32
    %dma_wait3A_30 = arith.constant 0 : i32
    %dma_wait3A_31 = tpu.memref_slice %arg6[%dma_wait3A_28, %dma_wait3A_29, %mul3A_2, %dma_wait3A_30] : memref<2x50x4096x64xf32, #tpu.memory_space<hbm>> -> memref<1x1x128x64xf32, #tpu.memory_space<hbm>>
    %dma_wait3A_32 = tpu.memref_squeeze %dma_wait3A_31 : memref<1x1x128x64xf32, #tpu.memory_space<hbm>> -> memref<128x64xf32, #tpu.memory_space<hbm>>
    %dma_wait3A_33 = arith.constant 0 : i32
    %dma_wait3A_34 = tpu.memref_slice %arg6[%dma_wait3A_28, %dma_wait3A_29, %mul3A_2, %dma_wait3A_33] : memref<2x50x4096x64xf32, #tpu.memory_space<hbm>> -> memref<1x1x128x64xf32, #tpu.memory_space<hbm>>
    %dma_wait3A_35 = tpu.memref_squeeze %dma_wait3A_34 : memref<1x1x128x64xf32, #tpu.memory_space<hbm>> -> memref<128x64xf32, #tpu.memory_space<hbm>>
    tpu.wait_dma2 semaphore(%arg22 : memref<!tpu.dma_semaphore, #tpu.memory_space<semaphore_mem>>) src(%arg12 : memref<128x64xf32, #tpu.memory_space<vmem>>) dst(%dma_wait3A_35 : memref<128x64xf32, #tpu.memory_space<hbm>>)
    %dma_wait3A_36 = arith.constant 0 : i32
    %dma_wait3A_37 = arith.constant 49 : i32
    %dma_wait3A_38 = arith.constant 0 : i32
    %dma_wait3A_39 = tpu.memref_slice %arg6[%dma_wait3A_36, %dma_wait3A_37, %mul3A_2, %dma_wait3A_38] : memref<2x50x4096x64xf32, #tpu.memory_space<hbm>> -> memref<1x1x128x64xf32, #tpu.memory_space<hbm>>
    %dma_wait3A_40 = tpu.memref_squeeze %dma_wait3A_39 : memref<1x1x128x64xf32, #tpu.memory_space<hbm>> -> memref<128x64xf32, #tpu.memory_space<hbm>>
    %dma_wait3A_41 = arith.constant 0 : i32
    %dma_wait3A_42 = tpu.memref_slice %arg6[%dma_wait3A_36, %dma_wait3A_37, %mul3A_2, %dma_wait3A_41] : memref<2x50x4096x64xf32, #tpu.memory_space<hbm>> -> memref<1x1x128x64xf32, #tpu.memory_space<hbm>>
    %dma_wait3A_43 = tpu.memref_squeeze %dma_wait3A_42 : memref<1x1x128x64xf32, #tpu.memory_space<hbm>> -> memref<128x64xf32, #tpu.memory_space<hbm>>
    tpu.wait_dma2 semaphore(%arg23 : memref<!tpu.dma_semaphore, #tpu.memory_space<semaphore_mem>>) src(%arg13 : memref<128x64xf32, #tpu.memory_space<vmem>>) dst(%dma_wait3A_43 : memref<128x64xf32, #tpu.memory_space<hbm>>)
    "tpu.region"() ({
      %run_scoped3A = tpu.sem_alloc : memref<!tpu.dma_semaphore, #tpu.memory_space<semaphore_mem>>
      %dma_start3A_88 = arith.constant 0 : i32
      %dma_start3A_89 = tpu.memref_slice %arg5[%mul3A_2, %dma_start3A_88] : memref<4096x50xi32, #tpu.memory_space<hbm>> -> memref<128x50xi32, #tpu.memory_space<hbm>>
      %dma_start3A_90 = arith.constant 0 : i32
      %dma_start3A_91 = tpu.memref_slice %arg5[%mul3A_2, %dma_start3A_90] : memref<4096x50xi32, #tpu.memory_space<hbm>> -> memref<128x50xi32, #tpu.memory_space<hbm>>
      tpu.enqueue_dma source(%dma_start3A_91 : memref<128x50xi32, #tpu.memory_space<hbm>>) target(%arg7 : memref<128x50xi32, #tpu.memory_space<vmem>>) target_semaphore(%run_scoped3A : memref<!tpu.dma_semaphore, #tpu.memory_space<semaphore_mem>>)
      %dma_wait3A_92 = arith.constant 0 : i32
      %dma_wait3A_93 = tpu.memref_slice %arg5[%mul3A_2, %dma_wait3A_92] : memref<4096x50xi32, #tpu.memory_space<hbm>> -> memref<128x50xi32, #tpu.memory_space<hbm>>
      %dma_wait3A_94 = arith.constant 0 : i32
      %dma_wait3A_95 = tpu.memref_slice %arg5[%mul3A_2, %dma_wait3A_94] : memref<4096x50xi32, #tpu.memory_space<hbm>> -> memref<128x50xi32, #tpu.memory_space<hbm>>
      tpu.wait_dma2 semaphore(%run_scoped3A : memref<!tpu.dma_semaphore, #tpu.memory_space<semaphore_mem>>) src(%dma_wait3A_95 : memref<128x50xi32, #tpu.memory_space<hbm>>) dst(%arg7 : memref<128x50xi32, #tpu.memory_space<vmem>>)
      tpu.yield
    }) : () -> ()
    %scan3A_44 = arith.constant 0 : i32
    %scan3A_45 = arith.constant 50 : i32
    %scan3A_46 = arith.addi %scan3A_44, %scan3A_45 : i32
    %scan3A_47 = arith.constant 1 : i32
    scf.for %scan3A_88 = %scan3A_44 to %scan3A_46 step %scan3A_47  : i32 {
      %mul3A_89 = arith.constant 1 : i32
      %mul3A_90 = arith.muli %scan3A_88, %mul3A_89 : i32
      %add3A_91 = arith.constant 0 : i32
      %add3A_92 = arith.addi %add3A_91, %mul3A_90 : i32
      %broadcast_in_dim3A = vector.broadcast %add3A_92 : i32 to vector<16xi32>
      %add3A_93 = arith.constant 0 : i32
      %add3A_94 = vector.broadcast %add3A_93 : i32 to vector<16xi32>
      %add3A_95 = arith.addi %iota3A, %add3A_94 : vector<16xi32>
      %gather3A = tpu.vector_load_idx %arg7[%add3A_95, %broadcast_in_dim3A] : memref<128x50xi32, #tpu.memory_space<vmem>>[vector<16xi32>, vector<16xi32>], vector<16xi32>,
      %mul3A_96 = arith.constant 128 : i32
      %mul3A_97 = arith.muli %add3A_92, %mul3A_96 : i32
      %add3A_98 = arith.constant 0 : i32
      %add3A_99 = arith.addi %mul3A_97, %add3A_98 : i32
      %swap3A = arith.index_cast %add3A_99 : i32 to index
      %swap3A_100 = tpu.vector_load %arg8[%swap3A] {strides = array<i32>} : memref<6400xi32, #tpu.memory_space<vmem>>, vector<16xi32>,
      tpu.vector_store %arg8[%swap3A], %gather3A {strides = array<i32>} : memref<6400xi32, #tpu.memory_space<vmem>>, vector<16xi32>,
      %add3A_101 = arith.constant 16 : i32
      %add3A_102 = vector.broadcast %add3A_101 : i32 to vector<16xi32>
      %add3A_103 = arith.addi %iota3A, %add3A_102 : vector<16xi32>
      %gather3A_104 = tpu.vector_load_idx %arg7[%add3A_103, %broadcast_in_dim3A] : memref<128x50xi32, #tpu.memory_space<vmem>>[vector<16xi32>, vector<16xi32>], vector<16xi32>,
      %mul3A_105 = arith.constant 128 : i32
      %mul3A_106 = arith.muli %add3A_92, %mul3A_105 : i32
      %add3A_107 = arith.constant 16 : i32
      %add3A_108 = arith.addi %mul3A_106, %add3A_107 : i32
      %swap3A_109 = arith.index_cast %add3A_108 : i32 to index
      %swap3A_110 = tpu.vector_load %arg8[%swap3A_109] {strides = array<i32>} : memref<6400xi32, #tpu.memory_space<vmem>>, vector<16xi32>,
      tpu.vector_store %arg8[%swap3A_109], %gather3A_104 {strides = array<i32>} : memref<6400xi32, #tpu.memory_space<vmem>>, vector<16xi32>,
      %add3A_111 = arith.constant 32 : i32
      %add3A_112 = vector.broadcast %add3A_111 : i32 to vector<16xi32>
      %add3A_113 = arith.addi %iota3A, %add3A_112 : vector<16xi32>
      %gather3A_114 = tpu.vector_load_idx %arg7[%add3A_113, %broadcast_in_dim3A] : memref<128x50xi32, #tpu.memory_space<vmem>>[vector<16xi32>, vector<16xi32>], vector<16xi32>,
      %mul3A_115 = arith.constant 128 : i32
      %mul3A_116 = arith.muli %add3A_92, %mul3A_115 : i32
      %add3A_117 = arith.constant 32 : i32
      %add3A_118 = arith.addi %mul3A_116, %add3A_117 : i32
      %swap3A_119 = arith.index_cast %add3A_118 : i32 to index
      %swap3A_120 = tpu.vector_load %arg8[%swap3A_119] {strides = array<i32>} : memref<6400xi32, #tpu.memory_space<vmem>>, vector<16xi32>,
      tpu.vector_store %arg8[%swap3A_119], %gather3A_114 {strides = array<i32>} : memref<6400xi32, #tpu.memory_space<vmem>>, vector<16xi32>,
      %add3A_121 = arith.constant 48 : i32
      %add3A_122 = vector.broadcast %add3A_121 : i32 to vector<16xi32>
      %add3A_123 = arith.addi %iota3A, %add3A_122 : vector<16xi32>
      %gather3A_124 = tpu.vector_load_idx %arg7[%add3A_123, %broadcast_in_dim3A] : memref<128x50xi32, #tpu.memory_space<vmem>>[vector<16xi32>, vector<16xi32>], vector<16xi32>,
      %mul3A_125 = arith.constant 128 : i32
      %mul3A_126 = arith.muli %add3A_92, %mul3A_125 : i32
      %add3A_127 = arith.constant 48 : i32
      %add3A_128 = arith.addi %mul3A_126, %add3A_127 : i32
      %swap3A_129 = arith.index_cast %add3A_128 : i32 to index
      %swap3A_130 = tpu.vector_load %arg8[%swap3A_129] {strides = array<i32>} : memref<6400xi32, #tpu.memory_space<vmem>>, vector<16xi32>,
      tpu.vector_store %arg8[%swap3A_129], %gather3A_124 {strides = array<i32>} : memref<6400xi32, #tpu.memory_space<vmem>>, vector<16xi32>,
      %add3A_131 = arith.constant 64 : i32
      %add3A_132 = vector.broadcast %add3A_131 : i32 to vector<16xi32>
      %add3A_133 = arith.addi %iota3A, %add3A_132 : vector<16xi32>
      %gather3A_134 = tpu.vector_load_idx %arg7[%add3A_133, %broadcast_in_dim3A] : memref<128x50xi32, #tpu.memory_space<vmem>>[vector<16xi32>, vector<16xi32>], vector<16xi32>,
      %mul3A_135 = arith.constant 128 : i32
      %mul3A_136 = arith.muli %add3A_92, %mul3A_135 : i32
      %add3A_137 = arith.constant 64 : i32
      %add3A_138 = arith.addi %mul3A_136, %add3A_137 : i32
      %swap3A_139 = arith.index_cast %add3A_138 : i32 to index
      %swap3A_140 = tpu.vector_load %arg8[%swap3A_139] {strides = array<i32>} : memref<6400xi32, #tpu.memory_space<vmem>>, vector<16xi32>,
      tpu.vector_store %arg8[%swap3A_139], %gather3A_134 {strides = array<i32>} : memref<6400xi32, #tpu.memory_space<vmem>>, vector<16xi32>,
      %add3A_141 = arith.constant 80 : i32
      %add3A_142 = vector.broadcast %add3A_141 : i32 to vector<16xi32>
      %add3A_143 = arith.addi %iota3A, %add3A_142 : vector<16xi32>
      %gather3A_144 = tpu.vector_load_idx %arg7[%add3A_143, %broadcast_in_dim3A] : memref<128x50xi32, #tpu.memory_space<vmem>>[vector<16xi32>, vector<16xi32>], vector<16xi32>,
      %mul3A_145 = arith.constant 128 : i32
      %mul3A_146 = arith.muli %add3A_92, %mul3A_145 : i32
      %add3A_147 = arith.constant 80 : i32
      %add3A_148 = arith.addi %mul3A_146, %add3A_147 : i32
      %swap3A_149 = arith.index_cast %add3A_148 : i32 to index
      %swap3A_150 = tpu.vector_load %arg8[%swap3A_149] {strides = array<i32>} : memref<6400xi32, #tpu.memory_space<vmem>>, vector<16xi32>,
      tpu.vector_store %arg8[%swap3A_149], %gather3A_144 {strides = array<i32>} : memref<6400xi32, #tpu.memory_space<vmem>>, vector<16xi32>,
      %add3A_151 = arith.constant 96 : i32
      %add3A_152 = vector.broadcast %add3A_151 : i32 to vector<16xi32>
      %add3A_153 = arith.addi %iota3A, %add3A_152 : vector<16xi32>
      %gather3A_154 = tpu.vector_load_idx %arg7[%add3A_153, %broadcast_in_dim3A] : memref<128x50xi32, #tpu.memory_space<vmem>>[vector<16xi32>, vector<16xi32>], vector<16xi32>,
      %mul3A_155 = arith.constant 128 : i32
      %mul3A_156 = arith.muli %add3A_92, %mul3A_155 : i32
      %add3A_157 = arith.constant 96 : i32
      %add3A_158 = arith.addi %mul3A_156, %add3A_157 : i32
      %swap3A_159 = arith.index_cast %add3A_158 : i32 to index
      %swap3A_160 = tpu.vector_load %arg8[%swap3A_159] {strides = array<i32>} : memref<6400xi32, #tpu.memory_space<vmem>>, vector<16xi32>,
      tpu.vector_store %arg8[%swap3A_159], %gather3A_154 {strides = array<i32>} : memref<6400xi32, #tpu.memory_space<vmem>>, vector<16xi32>,
      %add3A_161 = arith.constant 112 : i32
      %add3A_162 = vector.broadcast %add3A_161 : i32 to vector<16xi32>
      %add3A_163 = arith.addi %iota3A, %add3A_162 : vector<16xi32>
      %gather3A_164 = tpu.vector_load_idx %arg7[%add3A_163, %broadcast_in_dim3A] : memref<128x50xi32, #tpu.memory_space<vmem>>[vector<16xi32>, vector<16xi32>], vector<16xi32>,
      %mul3A_165 = arith.constant 128 : i32
      %mul3A_166 = arith.muli %add3A_92, %mul3A_165 : i32
      %add3A_167 = arith.constant 112 : i32
      %add3A_168 = arith.addi %mul3A_166, %add3A_167 : i32
      %swap3A_169 = arith.index_cast %add3A_168 : i32 to index
      %swap3A_170 = tpu.vector_load %arg8[%swap3A_169] {strides = array<i32>} : memref<6400xi32, #tpu.memory_space<vmem>>, vector<16xi32>,
      tpu.vector_store %arg8[%swap3A_169], %gather3A_164 {strides = array<i32>} : memref<6400xi32, #tpu.memory_space<vmem>>, vector<16xi32>,
    }
    %scan3A_48 = arith.constant 50 : i32
    %dma_start3A_49 = arith.constant 0 : i32
    %dma_start3A_50 = tpu.memref_slice %arg8[%dma_start3A_49] : memref<6400xi32, #tpu.memory_space<vmem>> -> memref<128xi32, #tpu.memory_space<vmem>>
    %dma_start3A_51 = arith.constant 0 : i32
    %dma_start3A_52 = arith.constant 0 : i32
    %dma_start3A_53 = tpu.memref_slice %arg3[%dma_start3A_51, %dma_start3A_52] : memref<100000x64xf32, #tpu.memory_space<hbm>> -> memref<100000x64xf32, #tpu.memory_space<hbm>>
    tpu.enqueue_indirect_dma source(%dma_start3A_53 : memref<100000x64xf32, #tpu.memory_space<hbm>>) target(%arg9 : memref<128x64xf32, #tpu.memory_space<vmem>>) offsets(%dma_start3A_50 : memref<128xi32, #tpu.memory_space<vmem>>) semaphore(%arg14 : memref<!tpu.dma_semaphore, #tpu.memory_space<semaphore_mem>>)
    %dma_start3A_54 = arith.constant 128 : i32
    %dma_start3A_55 = tpu.memref_slice %arg8[%dma_start3A_54] : memref<6400xi32, #tpu.memory_space<vmem>> -> memref<128xi32, #tpu.memory_space<vmem>>
    %dma_start3A_56 = arith.constant 0 : i32
    %dma_start3A_57 = arith.constant 0 : i32
    %dma_start3A_58 = tpu.memref_slice %arg3[%dma_start3A_56, %dma_start3A_57] : memref<100000x64xf32, #tpu.memory_space<hbm>> -> memref<100000x64xf32, #tpu.memory_space<hbm>>
    tpu.enqueue_indirect_dma source(%dma_start3A_58 : memref<100000x64xf32, #tpu.memory_space<hbm>>) target(%arg10 : memref<128x64xf32, #tpu.memory_space<vmem>>) offsets(%dma_start3A_55 : memref<128xi32, #tpu.memory_space<vmem>>) semaphore(%arg15 : memref<!tpu.dma_semaphore, #tpu.memory_space<semaphore_mem>>)
    %scan3A_59 = arith.constant 0 : i32
    %scan3A_60 = arith.constant 10 : i32
    %scan3A_61 = arith.addi %scan3A_59, %scan3A_60 : i32
    %scan3A_62 = arith.constant 1 : i32
    scf.for %scan3A_88 = %scan3A_59 to %scan3A_61 step %scan3A_62  : i32 {
      %mul3A_89 = arith.constant 5 : i32
      %mul3A_90 = arith.muli %scan3A_88, %mul3A_89 : i32
      %add3A_91 = arith.constant 0 : i32
      %add3A_92 = arith.addi %add3A_91, %mul3A_90 : i32
      %add3A_93 = arith.constant 0 : i32
      %add3A_94 = arith.addi %add3A_92, %add3A_93 : i32
      %ge3A = arith.constant 3 : i32
      %ge3A_95 = arith.cmpi sge, %add3A_94, %ge3A : i32
      %convert_element_type3A = arith.extui %ge3A_95 : i1 to i32
      %cond3A = arith.constant 0 : i32
      %cond3A_96 = arith.cmpi ne, %convert_element_type3A, %cond3A : i32
      scf.if %cond3A_96 {
        %add3A_214 = arith.constant 2 : i32
        %add3A_215 = arith.addi %add3A_94, %add3A_214 : i32
        %sub3A = arith.constant 5 : i32
        %sub3A_216 = arith.subi %add3A_215, %sub3A : i32
        %dma_wait3A_217 = arith.constant 1 : i32
        %dma_wait3A_218 = arith.constant 0 : i32
        %dma_wait3A_219 = tpu.memref_slice %arg6[%dma_wait3A_217, %sub3A_216, %mul3A_2, %dma_wait3A_218] : memref<2x50x4096x64xf32, #tpu.memory_space<hbm>> -> memref<1x1x128x64xf32, #tpu.memory_space<hbm>>
        %dma_wait3A_220 = tpu.memref_squeeze %dma_wait3A_219 : memref<1x1x128x64xf32, #tpu.memory_space<hbm>> -> memref<128x64xf32, #tpu.memory_space<hbm>>
        %dma_wait3A_221 = arith.constant 0 : i32
        %dma_wait3A_222 = tpu.memref_slice %arg6[%dma_wait3A_217, %sub3A_216, %mul3A_2, %dma_wait3A_221] : memref<2x50x4096x64xf32, #tpu.memory_space<hbm>> -> memref<1x1x128x64xf32, #tpu.memory_space<hbm>>
        %dma_wait3A_223 = tpu.memref_squeeze %dma_wait3A_222 : memref<1x1x128x64xf32, #tpu.memory_space<hbm>> -> memref<128x64xf32, #tpu.memory_space<hbm>>
        tpu.wait_dma2 semaphore(%arg21 : memref<!tpu.dma_semaphore, #tpu.memory_space<semaphore_mem>>) src(%arg11 : memref<128x64xf32, #tpu.memory_space<vmem>>) dst(%dma_wait3A_223 : memref<128x64xf32, #tpu.memory_space<hbm>>)
      } else {
      }
      %lt3A = arith.constant 48 : i32
      %lt3A_97 = arith.cmpi slt, %add3A_94, %lt3A : i32
      %convert_element_type3A_98 = arith.extui %lt3A_97 : i1 to i32
      %cond3A_99 = arith.constant 0 : i32
      %cond3A_100 = arith.cmpi ne, %convert_element_type3A_98, %cond3A_99 : i32
      scf.if %cond3A_100 {
        %add3A_214 = arith.constant 2 : i32
        %add3A_215 = arith.addi %add3A_94, %add3A_214 : i32
        %mul3A_216 = arith.constant 128 : i32
        %mul3A_217 = arith.muli %add3A_215, %mul3A_216 : i32
        %dma_start3A_218 = tpu.memref_slice %arg8[%mul3A_217] : memref<6400xi32, #tpu.memory_space<vmem>> -> memref<128xi32, #tpu.memory_space<vmem>>
        %dma_start3A_219 = arith.constant 0 : i32
        %dma_start3A_220 = arith.constant 0 : i32
        %dma_start3A_221 = tpu.memref_slice %arg3[%dma_start3A_219, %dma_start3A_220] : memref<100000x64xf32, #tpu.memory_space<hbm>> -> memref<100000x64xf32, #tpu.memory_space<hbm>>
        tpu.enqueue_indirect_dma source(%dma_start3A_221 : memref<100000x64xf32, #tpu.memory_space<hbm>>) target(%arg11 : memref<128x64xf32, #tpu.memory_space<vmem>>) offsets(%dma_start3A_218 : memref<128xi32, #tpu.memory_space<vmem>>) semaphore(%arg16 : memref<!tpu.dma_semaphore, #tpu.memory_space<semaphore_mem>>)
      } else {
      }
      %mul3A_101 = arith.constant 128 : i32
      %mul3A_102 = arith.muli %add3A_94, %mul3A_101 : i32
      %dma_wait3A_103 = tpu.memref_slice %arg8[%mul3A_102] : memref<6400xi32, #tpu.memory_space<vmem>> -> memref<128xi32, #tpu.memory_space<vmem>>
      %dma_wait3A_104 = arith.constant 0 : i32
      %dma_wait3A_105 = arith.constant 0 : i32
      %dma_wait3A_106 = tpu.memref_slice %arg3[%dma_wait3A_104, %dma_wait3A_105] : memref<100000x64xf32, #tpu.memory_space<hbm>> -> memref<100000x64xf32, #tpu.memory_space<hbm>>
      tpu.wait_indirect_dma semaphore(%arg14 : memref<!tpu.dma_semaphore, #tpu.memory_space<semaphore_mem>>) src(%dma_wait3A_106 : memref<100000x64xf32, #tpu.memory_space<hbm>>) dst(%arg9 : memref<128x64xf32, #tpu.memory_space<vmem>>)
      %dma_start3A_107 = arith.constant 1 : i32
      %dma_start3A_108 = arith.constant 0 : i32
      %dma_start3A_109 = tpu.memref_slice %arg6[%dma_start3A_107, %add3A_94, %mul3A_2, %dma_start3A_108] : memref<2x50x4096x64xf32, #tpu.memory_space<hbm>> -> memref<1x1x128x64xf32, #tpu.memory_space<hbm>>
      %dma_start3A_110 = tpu.memref_squeeze %dma_start3A_109 : memref<1x1x128x64xf32, #tpu.memory_space<hbm>> -> memref<128x64xf32, #tpu.memory_space<hbm>>
      %dma_start3A_111 = arith.constant 0 : i32
      %dma_start3A_112 = tpu.memref_slice %arg6[%dma_start3A_107, %add3A_94, %mul3A_2, %dma_start3A_111] : memref<2x50x4096x64xf32, #tpu.memory_space<hbm>> -> memref<1x1x128x64xf32, #tpu.memory_space<hbm>>
      %dma_start3A_113 = tpu.memref_squeeze %dma_start3A_112 : memref<1x1x128x64xf32, #tpu.memory_space<hbm>> -> memref<128x64xf32, #tpu.memory_space<hbm>>
      tpu.enqueue_dma source(%arg9 : memref<128x64xf32, #tpu.memory_space<vmem>>) target(%dma_start3A_113 : memref<128x64xf32, #tpu.memory_space<hbm>>) target_semaphore(%arg19 : memref<!tpu.dma_semaphore, #tpu.memory_space<semaphore_mem>>)
      %add3A_114 = arith.constant 1 : i32
      %add3A_115 = arith.addi %add3A_92, %add3A_114 : i32
      %ge3A_116 = arith.constant 3 : i32
      %ge3A_117 = arith.cmpi sge, %add3A_115, %ge3A_116 : i32
      %convert_element_type3A_118 = arith.extui %ge3A_117 : i1 to i32
      %cond3A_119 = arith.constant 0 : i32
      %cond3A_120 = arith.cmpi ne, %convert_element_type3A_118, %cond3A_119 : i32
      scf.if %cond3A_120 {
        %add3A_214 = arith.constant 2 : i32
        %add3A_215 = arith.addi %add3A_115, %add3A_214 : i32
        %sub3A = arith.constant 5 : i32
        %sub3A_216 = arith.subi %add3A_215, %sub3A : i32
        %dma_wait3A_217 = arith.constant 1 : i32
        %dma_wait3A_218 = arith.constant 0 : i32
        %dma_wait3A_219 = tpu.memref_slice %arg6[%dma_wait3A_217, %sub3A_216, %mul3A_2, %dma_wait3A_218] : memref<2x50x4096x64xf32, #tpu.memory_space<hbm>> -> memref<1x1x128x64xf32, #tpu.memory_space<hbm>>
        %dma_wait3A_220 = tpu.memref_squeeze %dma_wait3A_219 : memref<1x1x128x64xf32, #tpu.memory_space<hbm>> -> memref<128x64xf32, #tpu.memory_space<hbm>>
        %dma_wait3A_221 = arith.constant 0 : i32
        %dma_wait3A_222 = tpu.memref_slice %arg6[%dma_wait3A_217, %sub3A_216, %mul3A_2, %dma_wait3A_221] : memref<2x50x4096x64xf32, #tpu.memory_space<hbm>> -> memref<1x1x128x64xf32, #tpu.memory_space<hbm>>
        %dma_wait3A_223 = tpu.memref_squeeze %dma_wait3A_222 : memref<1x1x128x64xf32, #tpu.memory_space<hbm>> -> memref<128x64xf32, #tpu.memory_space<hbm>>
        tpu.wait_dma2 semaphore(%arg22 : memref<!tpu.dma_semaphore, #tpu.memory_space<semaphore_mem>>) src(%arg12 : memref<128x64xf32, #tpu.memory_space<vmem>>) dst(%dma_wait3A_223 : memref<128x64xf32, #tpu.memory_space<hbm>>)
      } else {
      }
      %lt3A_121 = arith.constant 48 : i32
      %lt3A_122 = arith.cmpi slt, %add3A_115, %lt3A_121 : i32
      %convert_element_type3A_123 = arith.extui %lt3A_122 : i1 to i32
      %cond3A_124 = arith.constant 0 : i32
      %cond3A_125 = arith.cmpi ne, %convert_element_type3A_123, %cond3A_124 : i32
      scf.if %cond3A_125 {
        %add3A_214 = arith.constant 2 : i32
        %add3A_215 = arith.addi %add3A_115, %add3A_214 : i32
        %mul3A_216 = arith.constant 128 : i32
        %mul3A_217 = arith.muli %add3A_215, %mul3A_216 : i32
        %dma_start3A_218 = tpu.memref_slice %arg8[%mul3A_217] : memref<6400xi32, #tpu.memory_space<vmem>> -> memref<128xi32, #tpu.memory_space<vmem>>
        %dma_start3A_219 = arith.constant 0 : i32
        %dma_start3A_220 = arith.constant 0 : i32
        %dma_start3A_221 = tpu.memref_slice %arg3[%dma_start3A_219, %dma_start3A_220] : memref<100000x64xf32, #tpu.memory_space<hbm>> -> memref<100000x64xf32, #tpu.memory_space<hbm>>
        tpu.enqueue_indirect_dma source(%dma_start3A_221 : memref<100000x64xf32, #tpu.memory_space<hbm>>) target(%arg12 : memref<128x64xf32, #tpu.memory_space<vmem>>) offsets(%dma_start3A_218 : memref<128xi32, #tpu.memory_space<vmem>>) semaphore(%arg17 : memref<!tpu.dma_semaphore, #tpu.memory_space<semaphore_mem>>)
      } else {
      }
      %mul3A_126 = arith.constant 128 : i32
      %mul3A_127 = arith.muli %add3A_115, %mul3A_126 : i32
      %dma_wait3A_128 = tpu.memref_slice %arg8[%mul3A_127] : memref<6400xi32, #tpu.memory_space<vmem>> -> memref<128xi32, #tpu.memory_space<vmem>>
      %dma_wait3A_129 = arith.constant 0 : i32
      %dma_wait3A_130 = arith.constant 0 : i32
      %dma_wait3A_131 = tpu.memref_slice %arg3[%dma_wait3A_129, %dma_wait3A_130] : memref<100000x64xf32, #tpu.memory_space<hbm>> -> memref<100000x64xf32, #tpu.memory_space<hbm>>
      tpu.wait_indirect_dma semaphore(%arg15 : memref<!tpu.dma_semaphore, #tpu.memory_space<semaphore_mem>>) src(%dma_wait3A_131 : memref<100000x64xf32, #tpu.memory_space<hbm>>) dst(%arg10 : memref<128x64xf32, #tpu.memory_space<vmem>>)
      %dma_start3A_132 = arith.constant 1 : i32
      %dma_start3A_133 = arith.constant 0 : i32
      %dma_start3A_134 = tpu.memref_slice %arg6[%dma_start3A_132, %add3A_115, %mul3A_2, %dma_start3A_133] : memref<2x50x4096x64xf32, #tpu.memory_space<hbm>> -> memref<1x1x128x64xf32, #tpu.memory_space<hbm>>
      %dma_start3A_135 = tpu.memref_squeeze %dma_start3A_134 : memref<1x1x128x64xf32, #tpu.memory_space<hbm>> -> memref<128x64xf32, #tpu.memory_space<hbm>>
      %dma_start3A_136 = arith.constant 0 : i32
      %dma_start3A_137 = tpu.memref_slice %arg6[%dma_start3A_132, %add3A_115, %mul3A_2, %dma_start3A_136] : memref<2x50x4096x64xf32, #tpu.memory_space<hbm>> -> memref<1x1x128x64xf32, #tpu.memory_space<hbm>>
      %dma_start3A_138 = tpu.memref_squeeze %dma_start3A_137 : memref<1x1x128x64xf32, #tpu.memory_space<hbm>> -> memref<128x64xf32, #tpu.memory_space<hbm>>
      tpu.enqueue_dma source(%arg10 : memref<128x64xf32, #tpu.memory_space<vmem>>) target(%dma_start3A_138 : memref<128x64xf32, #tpu.memory_space<hbm>>) target_semaphore(%arg20 : memref<!tpu.dma_semaphore, #tpu.memory_space<semaphore_mem>>)
      %add3A_139 = arith.constant 2 : i32
      %add3A_140 = arith.addi %add3A_92, %add3A_139 : i32
      %ge3A_141 = arith.constant 3 : i32
      %ge3A_142 = arith.cmpi sge, %add3A_140, %ge3A_141 : i32
      %convert_element_type3A_143 = arith.extui %ge3A_142 : i1 to i32
      %cond3A_144 = arith.constant 0 : i32
      %cond3A_145 = arith.cmpi ne, %convert_element_type3A_143, %cond3A_144 : i32
      scf.if %cond3A_145 {
        %add3A_214 = arith.constant 2 : i32
        %add3A_215 = arith.addi %add3A_140, %add3A_214 : i32
        %sub3A = arith.constant 5 : i32
        %sub3A_216 = arith.subi %add3A_215, %sub3A : i32
        %dma_wait3A_217 = arith.constant 1 : i32
        %dma_wait3A_218 = arith.constant 0 : i32
        %dma_wait3A_219 = tpu.memref_slice %arg6[%dma_wait3A_217, %sub3A_216, %mul3A_2, %dma_wait3A_218] : memref<2x50x4096x64xf32, #tpu.memory_space<hbm>> -> memref<1x1x128x64xf32, #tpu.memory_space<hbm>>
        %dma_wait3A_220 = tpu.memref_squeeze %dma_wait3A_219 : memref<1x1x128x64xf32, #tpu.memory_space<hbm>> -> memref<128x64xf32, #tpu.memory_space<hbm>>
        %dma_wait3A_221 = arith.constant 0 : i32
        %dma_wait3A_222 = tpu.memref_slice %arg6[%dma_wait3A_217, %sub3A_216, %mul3A_2, %dma_wait3A_221] : memref<2x50x4096x64xf32, #tpu.memory_space<hbm>> -> memref<1x1x128x64xf32, #tpu.memory_space<hbm>>
        %dma_wait3A_223 = tpu.memref_squeeze %dma_wait3A_222 : memref<1x1x128x64xf32, #tpu.memory_space<hbm>> -> memref<128x64xf32, #tpu.memory_space<hbm>>
        tpu.wait_dma2 semaphore(%arg23 : memref<!tpu.dma_semaphore, #tpu.memory_space<semaphore_mem>>) src(%arg13 : memref<128x64xf32, #tpu.memory_space<vmem>>) dst(%dma_wait3A_223 : memref<128x64xf32, #tpu.memory_space<hbm>>)
      } else {
      }
      %lt3A_146 = arith.constant 48 : i32
      %lt3A_147 = arith.cmpi slt, %add3A_140, %lt3A_146 : i32
      %convert_element_type3A_148 = arith.extui %lt3A_147 : i1 to i32
      %cond3A_149 = arith.constant 0 : i32
      %cond3A_150 = arith.cmpi ne, %convert_element_type3A_148, %cond3A_149 : i32
      scf.if %cond3A_150 {
        %add3A_214 = arith.constant 2 : i32
        %add3A_215 = arith.addi %add3A_140, %add3A_214 : i32
        %mul3A_216 = arith.constant 128 : i32
        %mul3A_217 = arith.muli %add3A_215, %mul3A_216 : i32
        %dma_start3A_218 = tpu.memref_slice %arg8[%mul3A_217] : memref<6400xi32, #tpu.memory_space<vmem>> -> memref<128xi32, #tpu.memory_space<vmem>>
        %dma_start3A_219 = arith.constant 0 : i32
        %dma_start3A_220 = arith.constant 0 : i32
        %dma_start3A_221 = tpu.memref_slice %arg3[%dma_start3A_219, %dma_start3A_220] : memref<100000x64xf32, #tpu.memory_space<hbm>> -> memref<100000x64xf32, #tpu.memory_space<hbm>>
        tpu.enqueue_indirect_dma source(%dma_start3A_221 : memref<100000x64xf32, #tpu.memory_space<hbm>>) target(%arg13 : memref<128x64xf32, #tpu.memory_space<vmem>>) offsets(%dma_start3A_218 : memref<128xi32, #tpu.memory_space<vmem>>) semaphore(%arg18 : memref<!tpu.dma_semaphore, #tpu.memory_space<semaphore_mem>>)
      } else {
      }
      %mul3A_151 = arith.constant 128 : i32
      %mul3A_152 = arith.muli %add3A_140, %mul3A_151 : i32
      %dma_wait3A_153 = tpu.memref_slice %arg8[%mul3A_152] : memref<6400xi32, #tpu.memory_space<vmem>> -> memref<128xi32, #tpu.memory_space<vmem>>
      %dma_wait3A_154 = arith.constant 0 : i32
      %dma_wait3A_155 = arith.constant 0 : i32
      %dma_wait3A_156 = tpu.memref_slice %arg3[%dma_wait3A_154, %dma_wait3A_155] : memref<100000x64xf32, #tpu.memory_space<hbm>> -> memref<100000x64xf32, #tpu.memory_space<hbm>>
      tpu.wait_indirect_dma semaphore(%arg16 : memref<!tpu.dma_semaphore, #tpu.memory_space<semaphore_mem>>) src(%dma_wait3A_156 : memref<100000x64xf32, #tpu.memory_space<hbm>>) dst(%arg11 : memref<128x64xf32, #tpu.memory_space<vmem>>)
      %dma_start3A_157 = arith.constant 1 : i32
      %dma_start3A_158 = arith.constant 0 : i32
      %dma_start3A_159 = tpu.memref_slice %arg6[%dma_start3A_157, %add3A_140, %mul3A_2, %dma_start3A_158] : memref<2x50x4096x64xf32, #tpu.memory_space<hbm>> -> memref<1x1x128x64xf32, #tpu.memory_space<hbm>>
      %dma_start3A_160 = tpu.memref_squeeze %dma_start3A_159 : memref<1x1x128x64xf32, #tpu.memory_space<hbm>> -> memref<128x64xf32, #tpu.memory_space<hbm>>
      %dma_start3A_161 = arith.constant 0 : i32
      %dma_start3A_162 = tpu.memref_slice %arg6[%dma_start3A_157, %add3A_140, %mul3A_2, %dma_start3A_161] : memref<2x50x4096x64xf32, #tpu.memory_space<hbm>> -> memref<1x1x128x64xf32, #tpu.memory_space<hbm>>
      %dma_start3A_163 = tpu.memref_squeeze %dma_start3A_162 : memref<1x1x128x64xf32, #tpu.memory_space<hbm>> -> memref<128x64xf32, #tpu.memory_space<hbm>>
      tpu.enqueue_dma source(%arg11 : memref<128x64xf32, #tpu.memory_space<vmem>>) target(%dma_start3A_163 : memref<128x64xf32, #tpu.memory_space<hbm>>) target_semaphore(%arg21 : memref<!tpu.dma_semaphore, #tpu.memory_space<semaphore_mem>>)
      %add3A_164 = arith.constant 3 : i32
      %add3A_165 = arith.addi %add3A_92, %add3A_164 : i32
      %ge3A_166 = arith.constant 3 : i32
      %ge3A_167 = arith.cmpi sge, %add3A_165, %ge3A_166 : i32
      %convert_element_type3A_168 = arith.extui %ge3A_167 : i1 to i32
      %cond3A_169 = arith.constant 0 : i32
      %cond3A_170 = arith.cmpi ne, %convert_element_type3A_168, %cond3A_169 : i32
      scf.if %cond3A_170 {
        %add3A_214 = arith.constant 2 : i32
        %add3A_215 = arith.addi %add3A_165, %add3A_214 : i32
        %sub3A = arith.constant 5 : i32
        %sub3A_216 = arith.subi %add3A_215, %sub3A : i32
        %dma_wait3A_217 = arith.constant 1 : i32
        %dma_wait3A_218 = arith.constant 0 : i32
        %dma_wait3A_219 = tpu.memref_slice %arg6[%dma_wait3A_217, %sub3A_216, %mul3A_2, %dma_wait3A_218] : memref<2x50x4096x64xf32, #tpu.memory_space<hbm>> -> memref<1x1x128x64xf32, #tpu.memory_space<hbm>>
        %dma_wait3A_220 = tpu.memref_squeeze %dma_wait3A_219 : memref<1x1x128x64xf32, #tpu.memory_space<hbm>> -> memref<128x64xf32, #tpu.memory_space<hbm>>
        %dma_wait3A_221 = arith.constant 0 : i32
        %dma_wait3A_222 = tpu.memref_slice %arg6[%dma_wait3A_217, %sub3A_216, %mul3A_2, %dma_wait3A_221] : memref<2x50x4096x64xf32, #tpu.memory_space<hbm>> -> memref<1x1x128x64xf32, #tpu.memory_space<hbm>>
        %dma_wait3A_223 = tpu.memref_squeeze %dma_wait3A_222 : memref<1x1x128x64xf32, #tpu.memory_space<hbm>> -> memref<128x64xf32, #tpu.memory_space<hbm>>
        tpu.wait_dma2 semaphore(%arg19 : memref<!tpu.dma_semaphore, #tpu.memory_space<semaphore_mem>>) src(%arg9 : memref<128x64xf32, #tpu.memory_space<vmem>>) dst(%dma_wait3A_223 : memref<128x64xf32, #tpu.memory_space<hbm>>)
      } else {
      }
      %lt3A_171 = arith.constant 48 : i32
      %lt3A_172 = arith.cmpi slt, %add3A_165, %lt3A_171 : i32
      %convert_element_type3A_173 = arith.extui %lt3A_172 : i1 to i32
      %cond3A_174 = arith.constant 0 : i32
      %cond3A_175 = arith.cmpi ne, %convert_element_type3A_173, %cond3A_174 : i32
      scf.if %cond3A_175 {
        %add3A_214 = arith.constant 2 : i32
        %add3A_215 = arith.addi %add3A_165, %add3A_214 : i32
        %mul3A_216 = arith.constant 128 : i32
        %mul3A_217 = arith.muli %add3A_215, %mul3A_216 : i32
        %dma_start3A_218 = tpu.memref_slice %arg8[%mul3A_217] : memref<6400xi32, #tpu.memory_space<vmem>> -> memref<128xi32, #tpu.memory_space<vmem>>
        %dma_start3A_219 = arith.constant 0 : i32
        %dma_start3A_220 = arith.constant 0 : i32
        %dma_start3A_221 = tpu.memref_slice %arg3[%dma_start3A_219, %dma_start3A_220] : memref<100000x64xf32, #tpu.memory_space<hbm>> -> memref<100000x64xf32, #tpu.memory_space<hbm>>
        tpu.enqueue_indirect_dma source(%dma_start3A_221 : memref<100000x64xf32, #tpu.memory_space<hbm>>) target(%arg9 : memref<128x64xf32, #tpu.memory_space<vmem>>) offsets(%dma_start3A_218 : memref<128xi32, #tpu.memory_space<vmem>>) semaphore(%arg14 : memref<!tpu.dma_semaphore, #tpu.memory_space<semaphore_mem>>)
      } else {
      }
      %mul3A_176 = arith.constant 128 : i32
      %mul3A_177 = arith.muli %add3A_165, %mul3A_176 : i32
      %dma_wait3A_178 = tpu.memref_slice %arg8[%mul3A_177] : memref<6400xi32, #tpu.memory_space<vmem>> -> memref<128xi32, #tpu.memory_space<vmem>>
      %dma_wait3A_179 = arith.constant 0 : i32
      %dma_wait3A_180 = arith.constant 0 : i32
      %dma_wait3A_181 = tpu.memref_slice %arg3[%dma_wait3A_179, %dma_wait3A_180] : memref<100000x64xf32, #tpu.memory_space<hbm>> -> memref<100000x64xf32, #tpu.memory_space<hbm>>
      tpu.wait_indirect_dma semaphore(%arg17 : memref<!tpu.dma_semaphore, #tpu.memory_space<semaphore_mem>>) src(%dma_wait3A_181 : memref<100000x64xf32, #tpu.memory_space<hbm>>) dst(%arg12 : memref<128x64xf32, #tpu.memory_space<vmem>>)
      %dma_start3A_182 = arith.constant 1 : i32
      %dma_start3A_183 = arith.constant 0 : i32
      %dma_start3A_184 = tpu.memref_slice %arg6[%dma_start3A_182, %add3A_165, %mul3A_2, %dma_start3A_183] : memref<2x50x4096x64xf32, #tpu.memory_space<hbm>> -> memref<1x1x128x64xf32, #tpu.memory_space<hbm>>
      %dma_start3A_185 = tpu.memref_squeeze %dma_start3A_184 : memref<1x1x128x64xf32, #tpu.memory_space<hbm>> -> memref<128x64xf32, #tpu.memory_space<hbm>>
      %dma_start3A_186 = arith.constant 0 : i32
      %dma_start3A_187 = tpu.memref_slice %arg6[%dma_start3A_182, %add3A_165, %mul3A_2, %dma_start3A_186] : memref<2x50x4096x64xf32, #tpu.memory_space<hbm>> -> memref<1x1x128x64xf32, #tpu.memory_space<hbm>>
      %dma_start3A_188 = tpu.memref_squeeze %dma_start3A_187 : memref<1x1x128x64xf32, #tpu.memory_space<hbm>> -> memref<128x64xf32, #tpu.memory_space<hbm>>
      tpu.enqueue_dma source(%arg12 : memref<128x64xf32, #tpu.memory_space<vmem>>) target(%dma_start3A_188 : memref<128x64xf32, #tpu.memory_space<hbm>>) target_semaphore(%arg22 : memref<!tpu.dma_semaphore, #tpu.memory_space<semaphore_mem>>)
      %add3A_189 = arith.constant 4 : i32
      %add3A_190 = arith.addi %add3A_92, %add3A_189 : i32
      %ge3A_191 = arith.constant 3 : i32
      %ge3A_192 = arith.cmpi sge, %add3A_190, %ge3A_191 : i32
      %convert_element_type3A_193 = arith.extui %ge3A_192 : i1 to i32
      %cond3A_194 = arith.constant 0 : i32
      %cond3A_195 = arith.cmpi ne, %convert_element_type3A_193, %cond3A_194 : i32
      scf.if %cond3A_195 {
        %add3A_214 = arith.constant 2 : i32
        %add3A_215 = arith.addi %add3A_190, %add3A_214 : i32
        %sub3A = arith.constant 5 : i32
        %sub3A_216 = arith.subi %add3A_215, %sub3A : i32
        %dma_wait3A_217 = arith.constant 1 : i32
        %dma_wait3A_218 = arith.constant 0 : i32
        %dma_wait3A_219 = tpu.memref_slice %arg6[%dma_wait3A_217, %sub3A_216, %mul3A_2, %dma_wait3A_218] : memref<2x50x4096x64xf32, #tpu.memory_space<hbm>> -> memref<1x1x128x64xf32, #tpu.memory_space<hbm>>
        %dma_wait3A_220 = tpu.memref_squeeze %dma_wait3A_219 : memref<1x1x128x64xf32, #tpu.memory_space<hbm>> -> memref<128x64xf32, #tpu.memory_space<hbm>>
        %dma_wait3A_221 = arith.constant 0 : i32
        %dma_wait3A_222 = tpu.memref_slice %arg6[%dma_wait3A_217, %sub3A_216, %mul3A_2, %dma_wait3A_221] : memref<2x50x4096x64xf32, #tpu.memory_space<hbm>> -> memref<1x1x128x64xf32, #tpu.memory_space<hbm>>
        %dma_wait3A_223 = tpu.memref_squeeze %dma_wait3A_222 : memref<1x1x128x64xf32, #tpu.memory_space<hbm>> -> memref<128x64xf32, #tpu.memory_space<hbm>>
        tpu.wait_dma2 semaphore(%arg20 : memref<!tpu.dma_semaphore, #tpu.memory_space<semaphore_mem>>) src(%arg10 : memref<128x64xf32, #tpu.memory_space<vmem>>) dst(%dma_wait3A_223 : memref<128x64xf32, #tpu.memory_space<hbm>>)
      } else {
      }
      %lt3A_196 = arith.constant 48 : i32
      %lt3A_197 = arith.cmpi slt, %add3A_190, %lt3A_196 : i32
      %convert_element_type3A_198 = arith.extui %lt3A_197 : i1 to i32
      %cond3A_199 = arith.constant 0 : i32
      %cond3A_200 = arith.cmpi ne, %convert_element_type3A_198, %cond3A_199 : i32
      scf.if %cond3A_200 {
        %add3A_214 = arith.constant 2 : i32
        %add3A_215 = arith.addi %add3A_190, %add3A_214 : i32
        %mul3A_216 = arith.constant 128 : i32
        %mul3A_217 = arith.muli %add3A_215, %mul3A_216 : i32
        %dma_start3A_218 = tpu.memref_slice %arg8[%mul3A_217] : memref<6400xi32, #tpu.memory_space<vmem>> -> memref<128xi32, #tpu.memory_space<vmem>>
        %dma_start3A_219 = arith.constant 0 : i32
        %dma_start3A_220 = arith.constant 0 : i32
        %dma_start3A_221 = tpu.memref_slice %arg3[%dma_start3A_219, %dma_start3A_220] : memref<100000x64xf32, #tpu.memory_space<hbm>> -> memref<100000x64xf32, #tpu.memory_space<hbm>>
        tpu.enqueue_indirect_dma source(%dma_start3A_221 : memref<100000x64xf32, #tpu.memory_space<hbm>>) target(%arg10 : memref<128x64xf32, #tpu.memory_space<vmem>>) offsets(%dma_start3A_218 : memref<128xi32, #tpu.memory_space<vmem>>) semaphore(%arg15 : memref<!tpu.dma_semaphore, #tpu.memory_space<semaphore_mem>>)
      } else {
      }
      %mul3A_201 = arith.constant 128 : i32
      %mul3A_202 = arith.muli %add3A_190, %mul3A_201 : i32
      %dma_wait3A_203 = tpu.memref_slice %arg8[%mul3A_202] : memref<6400xi32, #tpu.memory_space<vmem>> -> memref<128xi32, #tpu.memory_space<vmem>>
      %dma_wait3A_204 = arith.constant 0 : i32
      %dma_wait3A_205 = arith.constant 0 : i32
      %dma_wait3A_206 = tpu.memref_slice %arg3[%dma_wait3A_204, %dma_wait3A_205] : memref<100000x64xf32, #tpu.memory_space<hbm>> -> memref<100000x64xf32, #tpu.memory_space<hbm>>
      tpu.wait_indirect_dma semaphore(%arg18 : memref<!tpu.dma_semaphore, #tpu.memory_space<semaphore_mem>>) src(%dma_wait3A_206 : memref<100000x64xf32, #tpu.memory_space<hbm>>) dst(%arg13 : memref<128x64xf32, #tpu.memory_space<vmem>>)
      %dma_start3A_207 = arith.constant 1 : i32
      %dma_start3A_208 = arith.constant 0 : i32
      %dma_start3A_209 = tpu.memref_slice %arg6[%dma_start3A_207, %add3A_190, %mul3A_2, %dma_start3A_208] : memref<2x50x4096x64xf32, #tpu.memory_space<hbm>> -> memref<1x1x128x64xf32, #tpu.memory_space<hbm>>
      %dma_start3A_210 = tpu.memref_squeeze %dma_start3A_209 : memref<1x1x128x64xf32, #tpu.memory_space<hbm>> -> memref<128x64xf32, #tpu.memory_space<hbm>>
      %dma_start3A_211 = arith.constant 0 : i32
      %dma_start3A_212 = tpu.memref_slice %arg6[%dma_start3A_207, %add3A_190, %mul3A_2, %dma_start3A_211] : memref<2x50x4096x64xf32, #tpu.memory_space<hbm>> -> memref<1x1x128x64xf32, #tpu.memory_space<hbm>>
      %dma_start3A_213 = tpu.memref_squeeze %dma_start3A_212 : memref<1x1x128x64xf32, #tpu.memory_space<hbm>> -> memref<128x64xf32, #tpu.memory_space<hbm>>
      tpu.enqueue_dma source(%arg13 : memref<128x64xf32, #tpu.memory_space<vmem>>) target(%dma_start3A_213 : memref<128x64xf32, #tpu.memory_space<hbm>>) target_semaphore(%arg23 : memref<!tpu.dma_semaphore, #tpu.memory_space<semaphore_mem>>)
    }
    %scan3A_63 = arith.constant 10 : i32
    %dma_wait3A_64 = arith.constant 1 : i32
    %dma_wait3A_65 = arith.constant 47 : i32
    %dma_wait3A_66 = arith.constant 0 : i32
    %dma_wait3A_67 = tpu.memref_slice %arg6[%dma_wait3A_64, %dma_wait3A_65, %mul3A_2, %dma_wait3A_66] : memref<2x50x4096x64xf32, #tpu.memory_space<hbm>> -> memref<1x1x128x64xf32, #tpu.memory_space<hbm>>
    %dma_wait3A_68 = tpu.memref_squeeze %dma_wait3A_67 : memref<1x1x128x64xf32, #tpu.memory_space<hbm>> -> memref<128x64xf32, #tpu.memory_space<hbm>>
    %dma_wait3A_69 = arith.constant 0 : i32
    %dma_wait3A_70 = tpu.memref_slice %arg6[%dma_wait3A_64, %dma_wait3A_65, %mul3A_2, %dma_wait3A_69] : memref<2x50x4096x64xf32, #tpu.memory_space<hbm>> -> memref<1x1x128x64xf32, #tpu.memory_space<hbm>>
    %dma_wait3A_71 = tpu.memref_squeeze %dma_wait3A_70 : memref<1x1x128x64xf32, #tpu.memory_space<hbm>> -> memref<128x64xf32, #tpu.memory_space<hbm>>
    tpu.wait_dma2 semaphore(%arg21 : memref<!tpu.dma_semaphore, #tpu.memory_space<semaphore_mem>>) src(%arg11 : memref<128x64xf32, #tpu.memory_space<vmem>>) dst(%dma_wait3A_71 : memref<128x64xf32, #tpu.memory_space<hbm>>)
    %dma_wait3A_72 = arith.constant 1 : i32
    %dma_wait3A_73 = arith.constant 48 : i32
    %dma_wait3A_74 = arith.constant 0 : i32
    %dma_wait3A_75 = tpu.memref_slice %arg6[%dma_wait3A_72, %dma_wait3A_73, %mul3A_2, %dma_wait3A_74] : memref<2x50x4096x64xf32, #tpu.memory_space<hbm>> -> memref<1x1x128x64xf32, #tpu.memory_space<hbm>>
    %dma_wait3A_76 = tpu.memref_squeeze %dma_wait3A_75 : memref<1x1x128x64xf32, #tpu.memory_space<hbm>> -> memref<128x64xf32, #tpu.memory_space<hbm>>
    %dma_wait3A_77 = arith.constant 0 : i32
    %dma_wait3A_78 = tpu.memref_slice %arg6[%dma_wait3A_72, %dma_wait3A_73, %mul3A_2, %dma_wait3A_77] : memref<2x50x4096x64xf32, #tpu.memory_space<hbm>> -> memref<1x1x128x64xf32, #tpu.memory_space<hbm>>
    %dma_wait3A_79 = tpu.memref_squeeze %dma_wait3A_78 : memref<1x1x128x64xf32, #tpu.memory_space<hbm>> -> memref<128x64xf32, #tpu.memory_space<hbm>>
    tpu.wait_dma2 semaphore(%arg22 : memref<!tpu.dma_semaphore, #tpu.memory_space<semaphore_mem>>) src(%arg12 : memref<128x64xf32, #tpu.memory_space<vmem>>) dst(%dma_wait3A_79 : memref<128x64xf32, #tpu.memory_space<hbm>>)
    %dma_wait3A_80 = arith.constant 1 : i32
    %dma_wait3A_81 = arith.constant 49 : i32
    %dma_wait3A_82 = arith.constant 0 : i32
    %dma_wait3A_83 = tpu.memref_slice %arg6[%dma_wait3A_80, %dma_wait3A_81, %mul3A_2, %dma_wait3A_82] : memref<2x50x4096x64xf32, #tpu.memory_space<hbm>> -> memref<1x1x128x64xf32, #tpu.memory_space<hbm>>
    %dma_wait3A_84 = tpu.memref_squeeze %dma_wait3A_83 : memref<1x1x128x64xf32, #tpu.memory_space<hbm>> -> memref<128x64xf32, #tpu.memory_space<hbm>>
    %dma_wait3A_85 = arith.constant 0 : i32
    %dma_wait3A_86 = tpu.memref_slice %arg6[%dma_wait3A_80, %dma_wait3A_81, %mul3A_2, %dma_wait3A_85] : memref<2x50x4096x64xf32, #tpu.memory_space<hbm>> -> memref<1x1x128x64xf32, #tpu.memory_space<hbm>>
    %dma_wait3A_87 = tpu.memref_squeeze %dma_wait3A_86 : memref<1x1x128x64xf32, #tpu.memory_space<hbm>> -> memref<128x64xf32, #tpu.memory_space<hbm>>
    tpu.wait_dma2 semaphore(%arg23 : memref<!tpu.dma_semaphore, #tpu.memory_space<semaphore_mem>>) src(%arg13 : memref<128x64xf32, #tpu.memory_space<vmem>>) dst(%dma_wait3A_87 : memref<128x64xf32, #tpu.memory_space<hbm>>)
    return
  }
}

</mosaic_0001>

<sc_bundles>
// kernel: kernel.3.cloned.1.call-start
scs
__scs_entry_jumppad:
0x0: {  	(pc) =	sbr.rel $0x88, $3  }
0x1: {  	(tag) =	ssettag $0x0;
	lr =	simm.s32 $0x1  }
0x2: {  	[smem:$0x3F9D] =	sst lr;
	_ =	strace $0xD0000000  }
0x3: {  	_ = 	snop  }
0x4: {  	_ = 	snop  }
0x5: {  	_ = 	snop  }
0x6: {  	_ = 	snop  }
0x7: {  	_ = 	snop  }
__scs_overlays_trampoline_lowered:
0x8: {  	[smem:$0x3FAC] =	sst s0  }
0x9: {  	[smem:$0x3FAD] =	sst s1  }
0xa: {  	[smem:$0x3FAE] =	sst s2  }
0xb: {  	[smem:$0x3FAF] =	sst s3  }
0xc: {  	[smem:$0x3FB0] =	sst s4  }
0xd: {  	[smem:$0x3FB1] =	sst s5  }
0xe: {  	[smem:$0x3FB2] =	sst s6  }
0xf: {  	[smem:$0x3FB3] =	sst s7  }
0x10: {  	[smem:$0x3FB4] =	sst s8  }
0x11: {  	[smem:$0x3FB5] =	sst s9;
	s0 =	simm.s32 @!p0 $0x0  }
0x12: {  	s1 =	sld [smem:$0x3F9B];
	s0 =	simm.s32 @p0 $0x1  }
0x13: {  	[smem:$0x3FB6] =	sst s0;
	s0 =	simm.s32 @!p1 $0x0  }
0x14: {  	s2 =	sld [smem:$0x3F9A];
	s0 =	simm.s32 @p1 $0x1  }
0x15: {  	[smem:$0x3FB7] =	sst s0;
	s0 =	simm.s32 @!p2 $0x0  }
0x16: {  	s3 =	sld [smem:$0x3FDB];
	s0 =	simm.s32 @p2 $0x1  }
0x17: {  	s4 =	simm.s32 $0x1BF5;
	[smem:$0x3FB9] =	sst s0  }
0x18: {  	s0 =	sld [smem:$0x3F9C];
	_ =	swait.ge [sflag:s4], $0x0  }
0x19: {  	s7 =	sld [smem:$0x3F9D]  }
0x1a: {  	s8 =	sadd.s32 $0xFFFFE003, lr  }
0x1b: {  	s9 =	sadd.s32 $0xFFFFFEF7, lr;
	s5 =	simm.s32 $0xFFFFFFFF;
	p2 =	slt.u32 s8, $0xFFFFF086  }
0x1c: {  	p1 =	slt.u32 s9, $0xF7A;
	s5 =	simm.s32 @!p2 $0x0  }
0x1d: {  	s5 =	simm.s32 @p1 $0x1;
	p0 =	seq.s32 s7, s2  }
0x1e: {  	s7 =	smul.u32 @!p0 $0xF7A, s2;
	p2 =	seq.s32 @!p0 s5, $0x0  }
0x1f: {  	s9 =	smul.u32 $0xF7A, s1;
	s8 =	simm.s32 @!p0 $0x1BF5;
	p2 =	por !p2, p0  }
0x20: {  	[sflag:s8] =	ssyncset.s32 @!p0 $0xFFFFF086;
	s6 =	sadd.s32 @!p0 s3, s7;
	s7 =	simm.s32 @!p0 $0x108  }
0x21: {  	s3 =	sadd.s32 s3, s9;
	s6 =	sadd.s32 @!p0 $0x88, s6;
	s7 =	simm.s32 @p2 $0x1082  }
0x22: {  	[simem:s7], [sflag:s8] =	dma.local @!p0 [hbm:s6], $0xF7A  }
0x23: {  	s9 =	sor.u32 $0xD0000000, s2;
	s6 =	simm.s32 $0x108;
	_ =	swait.ge @!p0 [sflag:s8], $0x0  }
0x24: {  	s3 =	sadd.s32 $0x88, s3;
	s6 =	simm.s32 @!p1 $0x1082;
	[sflag:s4] =	ssyncset.s32 $0xFFFFF086  }
0x25: {  	[simem:s6], [sflag:s4] =	dma.local [hbm:s3], $0xF7A  }
0x26: {  	[smem:$0x3F9D] =	sst s1;
	(tag) =	ssettag s2;
	_ =	strace s9  }
0x27: {  	s1 =	sld [smem:$0x3FAD]  }
0x28: {  	s2 =	sld [smem:$0x3FAE]  }
0x29: {  	s4 =	sld [smem:$0x3FB0]  }
0x2a: {  	p0 =	seq.s32 s5, $0x0;
	s5 =	sld [smem:$0x3FB1]  }
0x2b: {  	s6 =	sld [smem:$0x3FB2]  }
0x2c: {  	s7 =	sld [smem:$0x3FB3]  }
0x2d: {  	s3 =	simm.s32 $0x108;
	s8 =	sld [smem:$0x3FB4]  }
0x2e: {  	s3 =	simm.s32 @!p0 $0x1082;
	s9 =	sld [smem:$0x3FB5]  }
0x2f: {  	lr =	sadd.s32 s0, s3;
	s0 =	sld [smem:$0x3FAC]  }
0x30: {  	s3 =	sld [smem:$0x3FAF]  }
0x31: {  	[smem:$0x3FB8] =	sst s10  }
0x32: {  	s10 =	sld [smem:$0x3FB6];
	_ =	sdelay $0x3  }
0x33: {  	p0 =	seq.s32 s10, $0x1;
	s10 =	sld [smem:$0x3FB8];
	_ =	sdelay $0x3  }
0x34: {  	[smem:$0x3FB8] =	sst s10  }
0x35: {  	s10 =	sld [smem:$0x3FB7];
	_ =	sdelay $0x3  }
0x36: {  	p1 =	seq.s32 s10, $0x1;
	s10 =	sld [smem:$0x3FB8];
	_ =	sdelay $0x3  }
0x37: {  	[smem:$0x3FB8] =	sst s10  }
0x38: {  	s10 =	sld [smem:$0x3FB9]  }
0x39: {  	_ = 	snop;
	(pc) =	sbr.ind lr, $3  }
0x3a: {  	_ = 	snop  }
0x3b: {  	_ = 	snop  }
0x3c: {  	p2 =	seq.s32 s10, $0x1;
	s10 =	sld [smem:$0x3FB8]  }
0x3d: {  	_ =	shalt  }
0x3e: {  	_ =	shalt  }
0x3f: {  	_ =	shalt  }
0x40: {  	_ =	shalt  }
0x41: {  	_ =	shalt  }
0x42: {  	_ =	shalt  }
0x43: {  	_ =	shalt  }
0x44: {  	_ =	shalt  }
0x45: {  	_ =	shalt  }
0x46: {  	_ =	shalt  }
0x47: {  	_ =	shalt  }
0x48: {  	_ =	shalt  }
0x49: {  	_ =	shalt  }
0x4a: {  	_ =	shalt  }
0x4b: {  	_ =	shalt  }
0x4c: {  	_ =	shalt  }
0x4d: {  	_ =	shalt  }
0x4e: {  	_ =	shalt  }
0x4f: {  	_ =	shalt  }
0x50: {  	_ =	shalt  }
0x51: {  	_ =	shalt  }
0x52: {  	_ =	shalt  }
0x53: {  	_ =	shalt  }
0x54: {  	_ =	shalt  }
0x55: {  	_ =	shalt  }
0x56: {  	_ =	shalt  }
0x57: {  	_ =	shalt  }
0x58: {  	_ =	shalt  }
0x59: {  	_ =	shalt  }
0x5a: {  	_ =	shalt  }
0x5b: {  	_ =	shalt  }
0x5c: {  	_ =	shalt  }
0x5d: {  	_ =	shalt  }
0x5e: {  	_ =	shalt  }
0x5f: {  	_ =	shalt  }
0x60: {  	_ =	shalt  }
0x61: {  	_ =	shalt  }
0x62: {  	_ =	shalt  }
0x63: {  	_ =	shalt  }
0x64: {  	_ =	shalt  }
0x65: {  	_ =	shalt  }
0x66: {  	_ =	shalt  }
0x67: {  	_ =	shalt  }
0x68: {  	_ =	shalt  }
0x69: {  	_ =	shalt  }
0x6a: {  	_ =	shalt  }
0x6b: {  	_ =	shalt  }
0x6c: {  	_ =	shalt  }
0x6d: {  	_ =	shalt  }
0x6e: {  	_ =	shalt  }
0x6f: {  	_ =	shalt  }
0x70: {  	_ =	shalt  }
0x71: {  	_ =	shalt  }
0x72: {  	_ =	shalt  }
0x73: {  	_ =	shalt  }
0x74: {  	_ =	shalt  }
0x75: {  	_ =	shalt  }
0x76: {  	_ =	shalt  }
0x77: {  	_ =	shalt  }
0x78: {  	_ =	shalt  }
0x79: {  	_ =	shalt  }
0x7a: {  	_ =	shalt  }
0x7b: {  	_ =	shalt  }
0x7c: {  	_ =	shalt  }
0x7d: {  	_ =	shalt  }
0x7e: {  	_ =	shalt  }
0x7f: {  	_ =	shalt  }
0x80: {  	_ =	shalt  }
0x81: {  	_ =	shalt  }
0x82: {  	_ =	shalt  }
0x83: {  	_ =	shalt  }
0x84: {  	_ =	shalt  }
0x85: {  	_ =	shalt  }
0x86: {  	_ =	shalt  }
0x87: {  	_ =	shalt  }
.Lfunc_end0:
.L_simem_size_0:
called_computation.1_lowered:
.L_overlay_start_0:
0x88: {  	s2 =	sld [smem:$0x3FD9]  }
0x89: {  	s3 =	sld [smem:$0x3FFE];
	_ =	sdelay $0x1  }
0x8a: {  	s1 =	srdreg.scid  }
0x8b: {  	s0 =	sand.u32 $0x1, s1  }
0x8c: {  	s17 =	sshll.u32 s0, $0xA;
	s2 =	sadd.s32 s3, s2  }
0x8d: {  	s2 =	sadd.s32 s2, s17  }
0x8e: {  	[smem:$0x3FC4] =	sst s2  }
0x8f: {  	_ = 	snop  }
0x90: {  	s2 =	sld [smem:$0x3FD0];
	(tm) =	ssettm $0x1  }
0x91: {  	s18 =	sld [smem:$0x3FFB];
	_ =	sdelay $0x3  }
0x92: {  	_ =	strace s18  }
0x93: {  	s3 =	sld [smem:$0x3FFC];
	_ =	sdelay $0x3  }
0x94: {  	_ =	strace s3  }
0x95: {  	s3 =	sld [smem:$0x3FFD];
	_ =	sdelay $0x3  }
0x96: {  	_ =	strace s3  }
0x97: {  	_ =	strace $0x8FFFFFFF  }
0x98: {  	s19 =	sld [smem:$0x3FDB];
	_ =	sdelay $0x1  }
0x99: {  	s4 =	simm.s32 $_scs_section_size  }
0x9a: {  	s5 =	simm.s32 $_size__tile_overlayer_lowered;
	s6 =	simm.s32 $_tile_overlayer_lowered  }
0x9b: {  	s22 =	simm.s32 $0x1BFF;
	s21 =	sshll.u32 s6, $0x1;
	s3 =	sadd.s32 s4, s19  }
0x9c: {  	s7 =	simm.s32 $0x0;
	s20 =	sshll.u32 s5, $0x1;
	s5 =	sadd.s32 s21, s3  }
0x9d: {  	[timem:s7], [sflag:s22] =	dma.local [hbm:s5], s20  }
0x9e: {  	_ =	swait.ge [sflag:s22], s20  }
0x9f: {  	s4 =	ssub.s32 $0x0, s20;
	[sflag:s22] =	ssyncset.done $0x0  }
0xa0: {  	[sflag:s22] =	ssyncadd.s32 s4;
	_ =	sdelay $0x1  }
0xa1: {  	s23 =	simm.s32 $0x1B8B  }
0xa2: {  	_ =	swait.ge [sflag:s23], $0x1  }
0xa3: {  	[sflag:s23] =	ssyncset.done $0x0  }
0xa4: {  	s25 =	simm.s32 $0x1B8E;
	s24 =	sld [smem:$0x3FFE];
	[sflag:s23] =	ssyncadd.s32 $0xFFFFFFFF  }
0xa5: {  	s26 =	simm.s32 $execute0_lowered;
	[smem:$0x3FD2] =	sst s25  }
0xa6: {  	s5 =	sshll.u32 s26, $0x1;
	_ =	strace $0x80000046;
	[dreg:$0x1] =	wrdreg $0xFFFFFFFF  }
0xa7: {  	s28 =	simm.s32 $_size_execute0_lowered;
	s3 =	sadd.s32 s3, s5;
	[dreg:$0x0] =	wrdreg $0x0  }
0xa8: {  	s5 =	sshll.u32 s28, $0x1;
	[dreg:$0x2] =	wrdreg s3  }
0xa9: {  	[dreg:$0x3] =	wrdreg s5  }
0xaa: {  	[dreg:$0x4] =	wrdreg $0xC0  }
0xab: {  	_ =	task [dreg:s7], $0x5FFFF  }
0xac: {  	[dreg:$0x1] =	wrdreg $0xFFFFFFFF  }
0xad: {  	[dreg:$0x0] =	wrdreg $0x60  }
0xae: {  	[dreg:$0x2] =	wrdreg s24  }
0xaf: {  	[dreg:$0x3] =	wrdreg s2  }
0xb0: {  	[dreg:$0x4] =	wrdreg $0x9  }
0xb1: {  	_ =	task.clear_ibuf [dreg:s7], $0x5FFFF;
	_ =	strace $0x90000046  }
0xb2: {  	s29 =	simm.s32 $0x9;
	_ =	strace $0x80000048  }
0xb3: {  	_ =	swait.ge [sflag:s29], $0x1  }
0xb4: {  	[sflag:s29] =	ssyncadd.s32 $0xFFFFFFFF  }
0xb5: {  	_ =	strace $0x90000048  }
0xb6: {  	_ =	sfence  }
0xb7: {  	s30 =	sld [smem:$0x0];
	_ =	sdelay $0x2  }
0xb8: {  	s31 =	sshll.u32 s1, $0xD;
	s1 =	sshrl.u32 s1, $0x2  }
0xb9: {  	s3 =	sand.u32 $0x4000, s31;
	s1 =	sadd.s32 s1, s30  }
0xba: {  	s0 =	sor.u32 s3, s0;
	s1 =	sshll.u32 s1, $0x11  }
0xbb: {  	s0 =	sor.u32 s1, s0  }
0xbc: {  	s0 =	sadd.s32 $0x8F2B, s0  }
0xbd: {  	[sflag:s0] =	ssyncadd.remote.s32 $0x1  }
0xbe: {  	_ =	sfence.sel $0xFFFF  }
0xbf: {  	[dreg:$0x0] =	wrdreg $0xFFFFFFFF;
	(pc) =	sbr.abs _section_cstart, $3  }
0xc0: {  	[dreg:$0x1] =	wrdreg $0xFFFFFFFF  }
0xc1: {  	_ =	task.clear_ibuf [dreg:s7], $0x2FFFF;
	_ =	strace $0x9FFFFFFF  }
0xc2: {  	(tm) =	ssettm $0x7FFFFFFF  }
0xc3: {  	_ =	shalt  }
tec
execute0_lowered:
.L_overlay_start_1:
0x0: {  	(tag) =	ssettag $0x1  }
0x1: {  	s0 =	rddreg [dreg:$0x0]  }
0x2: {  	s1 =	rddreg [dreg:$0x1];
	s2 =	simm.s32 $0x0;
	s3 =	srdreg.scid  }
0x3: {  	s7 =	stileid.u32;
	s28 =	simm.s32 $0x0;
	[smem:$0x7FF] =	sst s2  }
0x4: {  	s4 =	sand.u32 $0x1, s3;
	s3 =	sadd.s32 $0x10400, s0;
	s5 =	sshll.u32 s7, $0x8  }
0x5: {  	s29 =	sshll.u32 s7, $0xE;
	_ =	strace $0x80000047;
	s6 =	sshll.u32 s4, $0x7  }
0x6: {  	s30 =	sshll.u32 s4, $0xD;
	s8 =	ssub.s32 $0x2, s4;
	s4 =	sadd.s32 $0xD3A00, s0  }
0x7: {  	s5 =	sor.u32 s6, s5;
	s7 =	sor.u32 s30, s29;
	s31 =	sshrl.u32 s8, $0x1  }
0x8: {  	s5 =	smul.u32 $0x7, s5;
	s9 =	sor.u32 $0x100000, s7;
	s10 =	ssub.s32 s8, s31  }
0x9: {  	s13 =	sor.u32 $0xC0000, s7;
	s15 =	sor.u32 $0x80000, s7;
	s16 =	sor.u32 $0x40000, s7  }
0xa: {  	s18 =	sshrl.u32 s7, $0x3;
	s19 =	sor.u32 $0xD80000, s7;
	s20 =	sor.u32 $0xD40000, s7  }
0xb: {  	s24 =	sor.u32 $0xD00000, s7;
	s26 =	sor.u32 $0xCC0000, s7;
	s7 =	sor.u32 $0xC80000, s7  }
0xc: {  	s11 =	sshrl.u32 s9, $0x3;
	s14 =	sshrl.u32 s13, $0x3;
	s8 =	sshrl.u32 s15, $0x3  }
0xd: {  	s9 =	sshrl.u32 s16, $0x3;
	s22 =	sshrl.u32 s20, $0x3;
	s25 =	sshrl.u32 s24, $0x3  }
0xe: {  	s30 =	sshrl.u32 s7, $0x3;
	s7 =	smax.u32 s10, $0x1;
	s10 =	simm.s32 $0x1C00  }
0xf: {  	s13 =	simm.s32 $0x5500;
	s15 =	simm.s32 $0x1;
	s16 =	simm.s32 $0x9500  }
0x10: {  	s20 =	simm.s32 $0x6;
	s24 =	simm.s32 $0x8;
	s6 =	sadd.s32 s11, s1  }
0x11: {  	s0 =	sadd.s32 s5, s0;
	s8 =	sadd.s32 s8, s1;
	[dreg:$0x3] =	wrdreg s6  }
0x12: {  	s17 =	sadd.s32 s9, s1;
	s23 =	sadd.s32 s22, s1;
	[dreg:$0x5] =	wrdreg s8  }
0x13: {  	s31 =	sadd.s32 s30, s1;
	s9 =	simm.s32 $0x80;
	[dreg:$0x6] =	wrdreg s17  }
0x14: {  	s11 =	simm.s32 $0x3500;
	s22 =	simm.s32 $0x7;
	[dreg:$0x9] =	wrdreg s23  }
0x15: {  	s12 =	sadd.s32 $0x2400, s0;
	s6 =	sadd.s32 s14, s1;
	[dreg:$0xc] =	wrdreg s31  }
0x16: {  	s0 =	sadd.s32 $0x9400, s0;
	s8 =	sshrl.u32 s19, $0x3;
	[dreg:$0xd] =	wrdreg s12  }
0x17: {  	s14 =	simm.s32 $0x7500;
	s17 =	simm.s32 $0x2;
	[dreg:$0x4] =	wrdreg s6  }
0x18: {  	v0 =	vlaneseq.u32;
	s19 =	simm.s32 $0x3;
	s23 =	simm.s32 $0x5;
	[dreg:$0xe] =	wrdreg s0  }
0x19: {  	v0 =	vmul.u32 $0x38, v0;
	s0 =	sadd.s32 s18, s1;
	s21 =	sadd.s32 s8, s1;
	s8 =	sshrl.u32 s26, $0x3  }
0x1a: {  	s12 =	simm.s32 $0x1C80;
	s18 =	simm.s32 $0xB500;
	[dreg:$0x7] =	wrdreg s0  }
0x1b: {  	v1 =	vadd.s32 $0x380, v0;
	s26 =	simm.s32 $0xA;
	[dreg:$0x8] =	wrdreg s21;
	s0 =	sadd.s32 s25, s1  }
0x1c: {  	v2 =	vadd.s32 $0x700, v0;
	v3 =	vadd.s32 $0xA80, v0;
	v4 =	vadd.s32 $0xE00, v0;
	s29 =	sadd.s32 s8, s1;
	s8 =	simm.s32 $0xB;
	[dreg:$0xa] =	wrdreg s0  }
0x1d: {  	v5 =	vadd.s32 $0x1180, v0;
	v6 =	vadd.s32 $0x1500, v0;
	v7 =	vadd.s32 $0x1880, v0;
	s21 =	simm.s32 $0x4;
	s25 =	simm.s32 $0x9;
	[dreg:$0xb] =	wrdreg s29  }
.LBB2_1:
0x1e: {  	v8 =	vmov s2  }
0x1f: {  	v8 =	vand.u32 $0x3F, v8  }
0x20: {  	s0 =	rddreg [dreg:$0xd];
	v9 =	vadd.s32 v0, v8  }
0x21: {  	[tilespmem:s2], [sflag:$0xB] =	stream.linear.gather [hbm4b:s0+s2], $0x1C00, $0x38;
	[tilespmem:$0xD500] =	vst v63  }
0x22: {  	_ =	swait.ge [sflag:s8], $0x1C00  }
0x23: {  	[sflag:s8] =	ssyncset.done $0x0  }
0x24: {  	[sflag:s8] =	ssyncadd.s32 $0xFFFFE400  }
0x25: {  	v9 =	vld.idx.msk [tilespmem:v9+s2+$0x0], $0xffff  }
0x26: {  	v10 =	vadd.s32 v1, v8;
	_ =	sdelay $0x2  }
0x27: {  	s0 =	simm.s32 $0x1C40  }
0x28: {  	[tilespmem:s0+$0xFFFFFFC0] =	vst v9  }
0x29: {  	v9 =	vld.idx.msk [tilespmem:v10+s2+$0x0], $0xffff  }
0x2a: {  	v10 =	vadd.s32 v2, v8;
	_ =	sdelay $0x3  }
0x2b: {  	[tilespmem:s0+$0xFFFFFFD0] =	vst v9  }
0x2c: {  	v9 =	vld.idx.msk [tilespmem:v10+s2+$0x0], $0xffff  }
0x2d: {  	v10 =	vadd.s32 v3, v8;
	_ =	sdelay $0x3  }
0x2e: {  	[tilespmem:s0+$0xFFFFFFE0] =	vst v9  }
0x2f: {  	v9 =	vld.idx.msk [tilespmem:v10+s2+$0x0], $0xffff  }
0x30: {  	v10 =	vadd.s32 v4, v8;
	_ =	sdelay $0x3  }
0x31: {  	[tilespmem:s0+$0xFFFFFFF0] =	vst v9  }
0x32: {  	v9 =	vld.idx.msk [tilespmem:v10+s2+$0x0], $0xffff  }
0x33: {  	v10 =	vadd.s32 v5, v8;
	_ =	sdelay $0x3  }
0x34: {  	[tilespmem:s0+$0x0] =	vst v9  }
0x35: {  	v9 =	vld.idx.msk [tilespmem:v10+s2+$0x0], $0xffff  }
0x36: {  	v10 =	vadd.s32 v6, v8;
	_ =	sdelay $0x3  }
0x37: {  	[tilespmem:s0+$0x10] =	vst v9  }
0x38: {  	v9 =	vld.idx.msk [tilespmem:v10+s2+$0x0], $0xffff  }
0x39: {  	v8 =	vadd.s32 v7, v8;
	_ =	sdelay $0x3  }
0x3a: {  	s1 =	simm.s32 $0x1;
	[tilespmem:s0+$0x20] =	vst v9  }
0x3b: {  	s29 =	simm.s32 $0x2;
	v9 =	vmov s1;
	v8 =	vld.idx.msk [tilespmem:v8+s2+$0x0], $0xffff  }
.LBB2_2:
0x3c: {  	p0 =	sne.s32 s29, $0x31;
	v9 =	vand.u32 $0x3F, v9  }
0x3d: {  	v10 =	vadd.s32 v0, v9;
	_ =	sdelay $0x3  }
0x3e: {  	[tilespmem:s0+$0x30] =	vst v8  }
0x3f: {  	v8 =	vld.idx.msk [tilespmem:v10+s2+$0x0], $0xffff;
	_ =	sdelay $0x1  }
0x40: {  	v10 =	vadd.s32 v1, v9;
	_ =	sdelay $0x2  }
0x41: {  	s0 =	sadd.s32 $0x80, s0  }
0x42: {  	[tilespmem:s0+$0xFFFFFFC0] =	vst v8  }
0x43: {  	v8 =	vld.idx.msk [tilespmem:v10+s2+$0x0], $0xffff;
	_ =	sdelay $0x1  }
0x44: {  	v10 =	vadd.s32 v2, v9;
	_ =	sdelay $0x3  }
0x45: {  	[tilespmem:s0+$0xFFFFFFD0] =	vst v8  }
0x46: {  	v8 =	vld.idx.msk [tilespmem:v10+s2+$0x0], $0xffff;
	_ =	sdelay $0x1  }
0x47: {  	v10 =	vadd.s32 v3, v9;
	_ =	sdelay $0x3  }
0x48: {  	[tilespmem:s0+$0xFFFFFFE0] =	vst v8  }
0x49: {  	v8 =	vld.idx.msk [tilespmem:v10+s2+$0x0], $0xffff;
	_ =	sdelay $0x1  }
0x4a: {  	v10 =	vadd.s32 v4, v9;
	_ =	sdelay $0x3  }
0x4b: {  	[tilespmem:s0+$0xFFFFFFF0] =	vst v8  }
0x4c: {  	v8 =	vld.idx.msk [tilespmem:v10+s2+$0x0], $0xffff;
	_ =	sdelay $0x1  }
0x4d: {  	v10 =	vadd.s32 v5, v9;
	_ =	sdelay $0x3  }
0x4e: {  	[tilespmem:s0+$0x0] =	vst v8  }
0x4f: {  	v8 =	vld.idx.msk [tilespmem:v10+s2+$0x0], $0xffff;
	_ =	sdelay $0x1  }
0x50: {  	v10 =	vadd.s32 v6, v9;
	_ =	sdelay $0x3  }
0x51: {  	[tilespmem:s0+$0x10] =	vst v8  }
0x52: {  	v8 =	vld.idx.msk [tilespmem:v10+s2+$0x0], $0xffff;
	_ =	sdelay $0x1  }
0x53: {  	v10 =	vadd.s32 v7, v9  }
.Ltmp0:
0x54: {  	(pc) =	sbr.rel @p0 .LBB2_2-.Ltmp0, $3  }
0x55: {  	_ =	sdelay $0x1  }
0x56: {  	[tilespmem:s0+$0x20] =	vst v8  }
0x57: {  	v9 =	vmov s29;
	s29 =	sadd.s32 $0x1, s29;
	v8 =	vld.idx.msk [tilespmem:v10+s2+$0x0], $0xffff  }
0x58: {  	v9 =	vand.u32 $0x3F, v9  }
0x59: {  	v10 =	vadd.s32 v0, v9;
	_ =	sdelay $0x3  }
0x5a: {  	[tilespmem:s0+$0x30] =	vst v8  }
0x5b: {  	v8 =	vld.idx.msk [tilespmem:v10+s2+$0x0], $0xffff  }
0x5c: {  	v58 =	vadd.s32 v1, v9;
	_ =	sdelay $0x2  }
0x5d: {  	s5 =	sadd.s32 $0x80, s0  }
0x5e: {  	[tilespmem:s5+$0xFFFFFFC0] =	vst v8  }
0x5f: {  	v8 =	vld.idx.msk [tilespmem:v58+s2+$0x0], $0xffff  }
0x60: {  	v59 =	vadd.s32 v2, v9;
	_ =	sdelay $0x3  }
0x61: {  	[tilespmem:s5+$0xFFFFFFD0] =	vst v8  }
0x62: {  	v8 =	vld.idx.msk [tilespmem:v59+s2+$0x0], $0xffff  }
0x63: {  	v60 =	vadd.s32 v3, v9;
	_ =	sdelay $0x3  }
0x64: {  	[tilespmem:s5+$0xFFFFFFE0] =	vst v8  }
0x65: {  	v8 =	vld.idx.msk [tilespmem:v60+s2+$0x0], $0xffff  }
0x66: {  	v61 =	vadd.s32 v4, v9;
	_ =	sdelay $0x3  }
0x67: {  	[tilespmem:s5+$0xFFFFFFF0] =	vst v8  }
0x68: {  	v8 =	vld.idx.msk [tilespmem:v61+s2+$0x0], $0xffff  }
0x69: {  	v62 =	vadd.s32 v5, v9;
	_ =	sdelay $0x3  }
0x6a: {  	[tilespmem:s5+$0x0] =	vst v8  }
0x6b: {  	v8 =	vld.idx.msk [tilespmem:v62+s2+$0x0], $0xffff  }
0x6c: {  	v63 =	vadd.s32 v6, v9;
	_ =	sdelay $0x3  }
0x6d: {  	[tilespmem:s5+$0x10] =	vst v8  }
0x6e: {  	v8 =	vld.idx.msk [tilespmem:v63+s2+$0x0], $0xffff  }
0x6f: {  	v9 =	vadd.s32 v7, v9;
	_ =	sdelay $0x3  }
0x70: {  	[tilespmem:s5+$0x20] =	vst v8  }
0x71: {  	v8 =	vld.idx.msk [tilespmem:v9+s2+$0x0], $0xffff;
	_ =	sdelay $0x3  }
0x72: {  	p0 =	por $0x1, $0x1  }
0x73: {  	p0 =	por p0, p0;
	[tilespmem:s5+$0x30] =	vst v8  }
0x74: {  	[tilespmem:s11], [sflag:$0x1] =	stream.indirect.gather [hbm4b:s3+s9], $0x40, s10, s9, $0xb8;
	[tilespmem:$0xD500] =	vst v63  }
0x75: {  	s0 =	simm.s32 @!p0 $0x8  }
0x76: {  	[tilespmem:s13], [sflag:$0x2] =	stream.indirect.gather [hbm4b:s3+s9], $0x40, s12, s9, $0xb8;
	[tilespmem:$0xD500] =	vst v63  }
0x77: {  	_ =	swait.ge @!p0 [sflag:s0], $0x2000  }
0x78: {  	[sflag:s0] =	ssyncset.done @!p0 $0x0  }
0x79: {  	s6 =	simm.s32 $0x1D00;
	[sflag:s0] =	ssyncadd.s32 @!p0 $0xFFFFE000  }
0x7a: {  	[tilespmem:s14], [sflag:$0x3] =	stream.indirect.gather [hbm4b:s3+s9], $0x40, s6, s9, $0xb8;
	[tilespmem:$0xD500] =	vst v63  }
0x7b: {  	_ =	swait.ge [sflag:s15], $0x2000  }
0x7c: {  	s1 =	rddreg [dreg:$0x7];
	[sflag:s15] =	ssyncset.done $0x0  }
0x7d: {  	[sflag:s15] =	ssyncadd.s32 $0xFFFFE000;
	s0 =	sadd.s32 $0x0, s1;
	s1 =	simm.s32 @!p0 $0x9  }
0x7e: {  	[hbm4b:s0+s2] =	stream.linear.scatter [tilespmem:s11], [sflag:$0x6], $0x2000, $0x38;
	[tilespmem:$0xD500] =	vst v63  }
0x7f: {  	_ =	swait.ge @!p0 [sflag:s1], $0x2000  }
0x80: {  	[sflag:s1] =	ssyncset.done @!p0 $0x0  }
0x81: {  	s5 =	simm.s32 $0x1D80;
	[sflag:s1] =	ssyncadd.s32 @!p0 $0xFFFFE000  }
0x82: {  	[tilespmem:s16], [sflag:$0x4] =	stream.indirect.gather [hbm4b:s3+s9], $0x40, s5, s9, $0xb8;
	[tilespmem:$0xD500] =	vst v63  }
0x83: {  	_ =	swait.ge [sflag:s17], $0x2000  }
0x84: {  	s6 =	rddreg [dreg:$0x6];
	[sflag:s17] =	ssyncset.done $0x0  }
0x85: {  	s1 =	simm.s32 @!p0 $0xA;
	[sflag:s17] =	ssyncadd.s32 $0xFFFFE000;
	s0 =	sadd.s32 $0x0, s6  }
0x86: {  	[hbm4b:s0+s2] =	stream.linear.scatter [tilespmem:s13], [sflag:$0x7], $0x2000, $0x38;
	[tilespmem:$0xD500] =	vst v63  }
0x87: {  	_ =	swait.ge @!p0 [sflag:s1], $0x2000  }
0x88: {  	[sflag:s1] =	ssyncset.done @!p0 $0x0  }
0x89: {  	[sflag:s1] =	ssyncadd.s32 @!p0 $0xFFFFE000;
	s1 =	simm.s32 $0x1E00  }
0x8a: {  	[tilespmem:s18], [sflag:$0x5] =	stream.indirect.gather [hbm4b:s3+s9], $0x40, s1, s9, $0xb8;
	[tilespmem:$0xD500] =	vst v63  }
0x8b: {  	_ =	swait.ge [sflag:s19], $0x2000  }
0x8c: {  	s5 =	rddreg [dreg:$0x5];
	[sflag:s19] =	ssyncset.done $0x0  }
0x8d: {  	[sflag:s19] =	ssyncadd.s32 $0xFFFFE000;
	s0 =	sadd.s32 $0x0, s5  }
0x8e: {  	[hbm4b:s0+s2] =	stream.linear.scatter [tilespmem:s14], [sflag:$0x8], $0x2000, $0x38;
	[tilespmem:$0xD500] =	vst v63  }
0x8f: {  	p0 =	por $0x0, $0x0;
	_ =	swait.ge [sflag:s20], $0x2000  }
0x90: {  	s1 =	simm.s32 @!p0 $0x80;
	[sflag:s20] =	ssyncset.done $0x0  }
0x91: {  	s5 =	simm.s32 @!p0 $0x3500;
	s0 =	simm.s32 @!p0 $0x1E80;
	[sflag:s20] =	ssyncadd.s32 $0xFFFFE000  }
0x92: {  	[tilespmem:s5], [sflag:$0x1] =	stream.indirect.gather @!p0 [hbm4b:s3+s1], $0x40, s0, s1, $0xb8;
	[tilespmem:$0xD500] =	vst v63  }
0x93: {  	_ =	swait.ge [sflag:s21], $0x2000  }
0x94: {  	s6 =	rddreg [dreg:$0x4];
	[sflag:s21] =	ssyncset.done $0x0  }
0x95: {  	[sflag:s21] =	ssyncadd.s32 $0xFFFFE000;
	s0 =	sadd.s32 $0x0, s6  }
0x96: {  	[hbm4b:s0+s2] =	stream.linear.scatter [tilespmem:s16], [sflag:$0x9], $0x2000, $0x38;
	[tilespmem:$0xD500] =	vst v63  }
0x97: {  	_ =	swait.ge [sflag:s22], $0x2000  }
0x98: {  	s31 =	simm.s32 $0x0;
	s29 =	simm.s32 $0x28000;
	[sflag:s22] =	ssyncset.done $0x0  }
0x99: {  	s5 =	simm.s32 @!p0 $0x5500;
	s0 =	simm.s32 $0x1F00;
	[sflag:s22] =	ssyncadd.s32 $0xFFFFE000  }
0x9a: {  	[tilespmem:s5], [sflag:$0x2] =	stream.indirect.gather @!p0 [hbm4b:s3+s1], $0x40, s0, s1, $0xb8;
	[tilespmem:$0xD500] =	vst v63  }
0x9b: {  	p6 =	por $0x0, $0x0;
	s30 =	simm.s32 $0x2180;
	_ =	swait.ge [sflag:s23], $0x2000  }
0x9c: {  	s0 =	simm.s32 $0x50000;
	p0 =	por p6, p6;
	[sflag:s23] =	ssyncset.done $0x0  }
0x9d: {  	s1 =	simm.s32 @!p0 $0x8;
	s5 =	rddreg [dreg:$0x3];
	[sflag:s23] =	ssyncadd.s32 $0xFFFFE000  }
.LBB2_4:
0x9e: {  	s5 =	sadd.s32 s31, s5  }
0x9f: {  	[hbm4b:s5+s2] =	stream.linear.scatter [tilespmem:s18], [sflag:$0xA], $0x2000, $0x38;
	[tilespmem:$0xD500] =	vst v63  }
0xa0: {  	_ =	swait.ge @!p0 [sflag:s1], $0x2000  }
0xa1: {  	[sflag:s1] =	ssyncset.done @!p0 $0x0  }
0xa2: {  	s6 =	sadd.s32 $0xFFFFFE00, s30;
	[sflag:s1] =	ssyncadd.s32 @!p0 $0xFFFFE000  }
0xa3: {  	[tilespmem:s14], [sflag:$0x3] =	stream.indirect.gather [hbm4b:s3+s9], $0x40, s6, s9, $0xb8;
	[tilespmem:$0xD500] =	vst v63  }
0xa4: {  	_ =	swait.ge [sflag:s15], $0x2000  }
0xa5: {  	s31 =	smov.u32 s29;
	s5 =	rddreg [dreg:$0x7];
	[sflag:s15] =	ssyncset.done $0x0  }
0xa6: {  	[sflag:s15] =	ssyncadd.s32 $0xFFFFE000;
	s1 =	sadd.s32 s31, s5;
	s5 =	simm.s32 @!p0 $0x9  }
0xa7: {  	[hbm4b:s1+s2] =	stream.linear.scatter [tilespmem:s11], [sflag:$0x6], $0x2000, $0x38;
	[tilespmem:$0xD500] =	vst v63  }
0xa8: {  	_ =	swait.ge @!p0 [sflag:s5], $0x2000  }
0xa9: {  	[sflag:s5] =	ssyncset.done @!p0 $0x0  }
0xaa: {  	s6 =	sadd.s32 $0xFFFFFE80, s30;
	[sflag:s5] =	ssyncadd.s32 @!p0 $0xFFFFE000  }
0xab: {  	[tilespmem:s16], [sflag:$0x4] =	stream.indirect.gather [hbm4b:s3+s9], $0x40, s6, s9, $0xb8;
	[tilespmem:$0xD500] =	vst v63  }
0xac: {  	_ =	swait.ge [sflag:s17], $0x2000  }
0xad: {  	s5 =	rddreg [dreg:$0x6];
	[sflag:s17] =	ssyncset.done $0x0  }
0xae: {  	[sflag:s17] =	ssyncadd.s32 $0xFFFFE000;
	s1 =	sadd.s32 s31, s5;
	s5 =	simm.s32 @!p0 $0xA  }
0xaf: {  	[hbm4b:s1+s2] =	stream.linear.scatter [tilespmem:s13], [sflag:$0x7], $0x2000, $0x38;
	[tilespmem:$0xD500] =	vst v63  }
0xb0: {  	_ =	swait.ge @!p0 [sflag:s5], $0x2000  }
0xb1: {  	[sflag:s5] =	ssyncset.done @!p0 $0x0  }
0xb2: {  	s6 =	sadd.s32 $0xFFFFFF00, s30;
	[sflag:s5] =	ssyncadd.s32 @!p0 $0xFFFFE000  }
0xb3: {  	[tilespmem:s18], [sflag:$0x5] =	stream.indirect.gather [hbm4b:s3+s9], $0x40, s6, s9, $0xb8;
	[tilespmem:$0xD500] =	vst v63  }
0xb4: {  	_ =	swait.ge [sflag:s19], $0x2000  }
0xb5: {  	s5 =	rddreg [dreg:$0x5];
	[sflag:s19] =	ssyncset.done $0x0  }
0xb6: {  	p2 =	seq.s32 s0, $0x0;
	[sflag:s19] =	ssyncadd.s32 $0xFFFFE000;
	s1 =	sadd.s32 s31, s5  }
0xb7: {  	[hbm4b:s1+s2] =	stream.linear.scatter [tilespmem:s14], [sflag:$0x8], $0x2000, $0x38;
	[tilespmem:$0xD500] =	vst v63  }
0xb8: {  	p0 =	por p2, p2;
	p2 =	seq.s32 s31, $0x168000;
	_ =	swait.ge [sflag:s20], $0x2000  }
0xb9: {  	s6 =	simm.s32 @!p2 $0x3500;
	[sflag:s20] =	ssyncset.done $0x0  }
0xba: {  	s5 =	simm.s32 @!p2 $0x80;
	s1 =	sadd.s32 @!p2 $0xFFFFFF80, s30;
	[sflag:s20] =	ssyncadd.s32 $0xFFFFE000  }
0xbb: {  	[tilespmem:s6], [sflag:$0x1] =	stream.indirect.gather @!p2 [hbm4b:s3+s5], $0x40, s1, s5, $0xb8;
	[tilespmem:$0xD500] =	vst v63  }
0xbc: {  	_ =	swait.ge [sflag:s21], $0x2000  }
0xbd: {  	s6 =	rddreg [dreg:$0x4];
	[sflag:s21] =	ssyncset.done $0x0  }
0xbe: {  	[sflag:s21] =	ssyncadd.s32 $0xFFFFE000;
	s1 =	sadd.s32 s31, s6  }
0xbf: {  	[hbm4b:s1+s2] =	stream.linear.scatter [tilespmem:s16], [sflag:$0x9], $0x2000, $0x38;
	[tilespmem:$0xD500] =	vst v63  }
0xc0: {  	s29 =	smov.u32 s0;
	s0 =	sadd.s32 $0x28000, s0;
	_ =	swait.ge [sflag:s22], $0x2000  }
0xc1: {  	p1 =	sne.s32 s0, $0x190000;
	[sflag:s22] =	ssyncset.done $0x0  }
.Ltmp1:
0xc2: {  	s1 =	simm.s32 @!p2 $0x5500;
	[sflag:s22] =	ssyncadd.s32 $0xFFFFE000;
	(pc) =	sbr.rel @p1 .LBB2_4-.Ltmp1, $4  }
0xc3: {  	[tilespmem:s1], [sflag:$0x2] =	stream.indirect.gather @!p2 [hbm4b:s3+s5], $0x40, s30, s5, $0xb8;
	[tilespmem:$0xD500] =	vst v63  }
0xc4: {  	_ =	swait.ge [sflag:s23], $0x2000  }
0xc5: {  	s1 =	simm.s32 @!p0 $0x8;
	[sflag:s23] =	ssyncset.done $0x0  }
0xc6: {  	s30 =	sadd.s32 $0x280, s30;
	s5 =	rddreg [dreg:$0x3];
	[sflag:s23] =	ssyncadd.s32 $0xFFFFE000  }
0xc7: {  	s0 =	sadd.s32 s31, s5  }
0xc8: {  	[hbm4b:s0+s2] =	stream.linear.scatter [tilespmem:s18], [sflag:$0xA], $0x2000, $0x38;
	[tilespmem:$0xD500] =	vst v63  }
0xc9: {  	_ =	swait.ge @!p0 [sflag:s1], $0x2000  }
0xca: {  	[sflag:s1] =	ssyncset.done @!p0 $0x0  }
0xcb: {  	s5 =	sadd.s32 $0xFFFFFE00, s30;
	[sflag:s1] =	ssyncadd.s32 @!p0 $0xFFFFE000  }
0xcc: {  	[tilespmem:s14], [sflag:$0x3] =	stream.indirect.gather [hbm4b:s3+s9], $0x40, s5, s9, $0xb8;
	[tilespmem:$0xD500] =	vst v63  }
0xcd: {  	_ =	swait.ge [sflag:s15], $0x2000  }
0xce: {  	s6 =	rddreg [dreg:$0x7];
	[sflag:s15] =	ssyncset.done $0x0  }
0xcf: {  	s1 =	simm.s32 @!p0 $0x9;
	[sflag:s15] =	ssyncadd.s32 $0xFFFFE000;
	s0 =	sadd.s32 s29, s6  }
0xd0: {  	[hbm4b:s0+s2] =	stream.linear.scatter [tilespmem:s11], [sflag:$0x6], $0x2000, $0x38;
	[tilespmem:$0xD500] =	vst v63  }
0xd1: {  	_ =	swait.ge @!p0 [sflag:s1], $0x2000  }
0xd2: {  	[sflag:s1] =	ssyncset.done @!p0 $0x0  }
0xd3: {  	s31 =	sadd.s32 $0xFFFFFE80, s30;
	[sflag:s1] =	ssyncadd.s32 @!p0 $0xFFFFE000  }
0xd4: {  	[tilespmem:s16], [sflag:$0x4] =	stream.indirect.gather [hbm4b:s3+s9], $0x40, s31, s9, $0xb8;
	[tilespmem:$0xD500] =	vst v63  }
0xd5: {  	_ =	swait.ge [sflag:s17], $0x2000  }
0xd6: {  	s1 =	rddreg [dreg:$0x6];
	[sflag:s17] =	ssyncset.done $0x0  }
0xd7: {  	[sflag:s17] =	ssyncadd.s32 $0xFFFFE000;
	s0 =	sadd.s32 s29, s1;
	s1 =	simm.s32 @!p0 $0xA  }
0xd8: {  	[hbm4b:s0+s2] =	stream.linear.scatter [tilespmem:s13], [sflag:$0x7], $0x2000, $0x38;
	[tilespmem:$0xD500] =	vst v63  }
0xd9: {  	_ =	swait.ge @!p0 [sflag:s1], $0x2000  }
0xda: {  	[sflag:s1] =	ssyncset.done @!p0 $0x0  }
0xdb: {  	s5 =	sadd.s32 $0xFFFFFF00, s30;
	[sflag:s1] =	ssyncadd.s32 @!p0 $0xFFFFE000  }
0xdc: {  	[tilespmem:s18], [sflag:$0x5] =	stream.indirect.gather [hbm4b:s3+s9], $0x40, s5, s9, $0xb8;
	[tilespmem:$0xD500] =	vst v63  }
0xdd: {  	_ =	swait.ge [sflag:s19], $0x2000  }
0xde: {  	s6 =	rddreg [dreg:$0x5];
	[sflag:s19] =	ssyncset.done $0x0  }
0xdf: {  	[sflag:s19] =	ssyncadd.s32 $0xFFFFE000;
	s0 =	sadd.s32 s29, s6  }
0xe0: {  	[hbm4b:s0+s2] =	stream.linear.scatter [tilespmem:s14], [sflag:$0x8], $0x2000, $0x38;
	[tilespmem:$0xD500] =	vst v63  }
0xe1: {  	p0 =	seq.s32 s29, $0x168000;
	_ =	swait.ge [sflag:s20], $0x2000  }
0xe2: {  	s1 =	simm.s32 @!p0 $0x80;
	[sflag:s20] =	ssyncset.done $0x0  }
0xe3: {  	s5 =	simm.s32 @!p0 $0x3500;
	s0 =	sadd.s32 @!p0 $0xFFFFFF80, s30;
	[sflag:s20] =	ssyncadd.s32 $0xFFFFE000  }
0xe4: {  	[tilespmem:s5], [sflag:$0x1] =	stream.indirect.gather @!p0 [hbm4b:s3+s1], $0x40, s0, s1, $0xb8;
	[tilespmem:$0xD500] =	vst v63  }
0xe5: {  	_ =	swait.ge [sflag:s21], $0x2000  }
0xe6: {  	s31 =	rddreg [dreg:$0x4];
	[sflag:s21] =	ssyncset.done $0x0  }
0xe7: {  	[sflag:s21] =	ssyncadd.s32 $0xFFFFE000;
	s0 =	sadd.s32 s29, s31  }
0xe8: {  	[hbm4b:s0+s2] =	stream.linear.scatter [tilespmem:s16], [sflag:$0x9], $0x2000, $0x38;
	[tilespmem:$0xD500] =	vst v63  }
0xe9: {  	_ =	swait.ge [sflag:s22], $0x2000  }
0xea: {  	[sflag:s22] =	ssyncset.done $0x0  }
0xeb: {  	s0 =	simm.s32 @!p0 $0x5500;
	[sflag:s22] =	ssyncadd.s32 $0xFFFFE000  }
0xec: {  	[tilespmem:s0], [sflag:$0x2] =	stream.indirect.gather @!p0 [hbm4b:s3+s1], $0x40, s30, s1, $0xb8;
	[tilespmem:$0xD500] =	vst v63  }
0xed: {  	_ =	swait.ge [sflag:s23], $0x2000  }
0xee: {  	s5 =	rddreg [dreg:$0x3];
	[sflag:s23] =	ssyncset.done $0x0  }
0xef: {  	[sflag:s23] =	ssyncadd.s32 $0xFFFFE000;
	s0 =	sadd.s32 s29, s5  }
0xf0: {  	[hbm4b:s0+s2] =	stream.linear.scatter [tilespmem:s18], [sflag:$0xA], $0x2000, $0x38;
	[tilespmem:$0xD500] =	vst v63  }
0xf1: {  	_ =	swait.ge [sflag:s24], $0x2000  }
0xf2: {  	[sflag:s24] =	ssyncset.done $0x0  }
0xf3: {  	[sflag:s24] =	ssyncadd.s32 $0xFFFFE000  }
0xf4: {  	_ =	swait.ge [sflag:s25], $0x2000  }
0xf5: {  	[sflag:s25] =	ssyncset.done $0x0  }
0xf6: {  	s6 =	simm.s32 $0x0;
	[sflag:s25] =	ssyncadd.s32 $0xFFFFE000  }
0xf7: {  	v8 =	vmov s6;
	_ =	swait.ge [sflag:s26], $0x2000  }
0xf8: {  	v8 =	vand.u32 $0x3F, v8;
	[sflag:s26] =	ssyncset.done $0x0  }
0xf9: {  	v9 =	vadd.s32 v0, v8;
	s30 =	rddreg [dreg:$0xe];
	[sflag:s26] =	ssyncadd.s32 $0xFFFFE000  }
0xfa: {  	[tilespmem:s6], [sflag:$0xB] =	stream.linear.gather [hbm4b:s30+s6], $0x1C00, $0x38;
	[tilespmem:$0xD500] =	vst v63  }
0xfb: {  	_ =	swait.ge [sflag:s8], $0x1C00  }
0xfc: {  	[sflag:s8] =	ssyncset.done $0x0  }
0xfd: {  	[sflag:s8] =	ssyncadd.s32 $0xFFFFE400  }
0xfe: {  	v9 =	vld.idx.msk [tilespmem:v9+s2+$0x0], $0xffff  }
0xff: {  	v10 =	vadd.s32 v1, v8;
	_ =	sdelay $0x2  }
0x100: {  	s0 =	simm.s32 $0x1C40  }
0x101: {  	[tilespmem:s0+$0xFFFFFFC0] =	vst v9  }
0x102: {  	v9 =	vld.idx.msk [tilespmem:v10+s2+$0x0], $0xffff  }
0x103: {  	v10 =	vadd.s32 v2, v8;
	_ =	sdelay $0x3  }
0x104: {  	[tilespmem:s0+$0xFFFFFFD0] =	vst v9  }
0x105: {  	v9 =	vld.idx.msk [tilespmem:v10+s2+$0x0], $0xffff  }
0x106: {  	v10 =	vadd.s32 v3, v8;
	_ =	sdelay $0x3  }
0x107: {  	[tilespmem:s0+$0xFFFFFFE0] =	vst v9  }
0x108: {  	v9 =	vld.idx.msk [tilespmem:v10+s2+$0x0], $0xffff  }
0x109: {  	v10 =	vadd.s32 v4, v8;
	_ =	sdelay $0x3  }
0x10a: {  	[tilespmem:s0+$0xFFFFFFF0] =	vst v9  }
0x10b: {  	v9 =	vld.idx.msk [tilespmem:v10+s2+$0x0], $0xffff  }
0x10c: {  	v10 =	vadd.s32 v5, v8;
	_ =	sdelay $0x3  }
0x10d: {  	[tilespmem:s0+$0x0] =	vst v9  }
0x10e: {  	v9 =	vld.idx.msk [tilespmem:v10+s2+$0x0], $0xffff  }
0x10f: {  	v10 =	vadd.s32 v6, v8;
	_ =	sdelay $0x3  }
0x110: {  	[tilespmem:s0+$0x10] =	vst v9  }
0x111: {  	v9 =	vld.idx.msk [tilespmem:v10+s2+$0x0], $0xffff  }
0x112: {  	v8 =	vadd.s32 v7, v8;
	_ =	sdelay $0x3  }
0x113: {  	s31 =	simm.s32 $0x1;
	[tilespmem:s0+$0x20] =	vst v9  }
0x114: {  	s29 =	simm.s32 $0x2;
	v9 =	vmov s31;
	v8 =	vld.idx.msk [tilespmem:v8+s2+$0x0], $0xffff  }
.LBB2_6:
0x115: {  	p0 =	sne.s32 s29, $0x31;
	v9 =	vand.u32 $0x3F, v9  }
0x116: {  	v10 =	vadd.s32 v0, v9;
	_ =	sdelay $0x3  }
0x117: {  	[tilespmem:s0+$0x30] =	vst v8  }
0x118: {  	v8 =	vld.idx.msk [tilespmem:v10+s2+$0x0], $0xffff;
	_ =	sdelay $0x1  }
0x119: {  	v10 =	vadd.s32 v1, v9;
	_ =	sdelay $0x2  }
0x11a: {  	s0 =	sadd.s32 $0x80, s0  }
0x11b: {  	[tilespmem:s0+$0xFFFFFFC0] =	vst v8  }
0x11c: {  	v8 =	vld.idx.msk [tilespmem:v10+s2+$0x0], $0xffff;
	_ =	sdelay $0x1  }
0x11d: {  	v10 =	vadd.s32 v2, v9;
	_ =	sdelay $0x3  }
0x11e: {  	[tilespmem:s0+$0xFFFFFFD0] =	vst v8  }
0x11f: {  	v8 =	vld.idx.msk [tilespmem:v10+s2+$0x0], $0xffff;
	_ =	sdelay $0x1  }
0x120: {  	v10 =	vadd.s32 v3, v9;
	_ =	sdelay $0x3  }
0x121: {  	[tilespmem:s0+$0xFFFFFFE0] =	vst v8  }
0x122: {  	v8 =	vld.idx.msk [tilespmem:v10+s2+$0x0], $0xffff;
	_ =	sdelay $0x1  }
0x123: {  	v10 =	vadd.s32 v4, v9;
	_ =	sdelay $0x3  }
0x124: {  	[tilespmem:s0+$0xFFFFFFF0] =	vst v8  }
0x125: {  	v8 =	vld.idx.msk [tilespmem:v10+s2+$0x0], $0xffff;
	_ =	sdelay $0x1  }
0x126: {  	v10 =	vadd.s32 v5, v9;
	_ =	sdelay $0x3  }
0x127: {  	[tilespmem:s0+$0x0] =	vst v8  }
0x128: {  	v8 =	vld.idx.msk [tilespmem:v10+s2+$0x0], $0xffff;
	_ =	sdelay $0x1  }
0x129: {  	v10 =	vadd.s32 v6, v9;
	_ =	sdelay $0x3  }
0x12a: {  	[tilespmem:s0+$0x10] =	vst v8  }
0x12b: {  	v8 =	vld.idx.msk [tilespmem:v10+s2+$0x0], $0xffff;
	_ =	sdelay $0x1  }
0x12c: {  	v10 =	vadd.s32 v7, v9  }
.Ltmp2:
0x12d: {  	(pc) =	sbr.rel @p0 .LBB2_6-.Ltmp2, $3  }
0x12e: {  	_ =	sdelay $0x1  }
0x12f: {  	[tilespmem:s0+$0x20] =	vst v8  }
0x130: {  	v9 =	vmov s29;
	s29 =	sadd.s32 $0x1, s29;
	v8 =	vld.idx.msk [tilespmem:v10+s2+$0x0], $0xffff  }
0x131: {  	v9 =	vand.u32 $0x3F, v9  }
0x132: {  	v10 =	vadd.s32 v0, v9;
	_ =	sdelay $0x3  }
0x133: {  	[tilespmem:s0+$0x30] =	vst v8  }
0x134: {  	v8 =	vld.idx.msk [tilespmem:v10+s2+$0x0], $0xffff  }
0x135: {  	v58 =	vadd.s32 v1, v9;
	_ =	sdelay $0x2  }
0x136: {  	s5 =	sadd.s32 $0x80, s0  }
0x137: {  	[tilespmem:s5+$0xFFFFFFC0] =	vst v8  }
0x138: {  	v8 =	vld.idx.msk [tilespmem:v58+s2+$0x0], $0xffff  }
0x139: {  	v59 =	vadd.s32 v2, v9;
	_ =	sdelay $0x3  }
0x13a: {  	[tilespmem:s5+$0xFFFFFFD0] =	vst v8  }
0x13b: {  	v8 =	vld.idx.msk [tilespmem:v59+s2+$0x0], $0xffff  }
0x13c: {  	v60 =	vadd.s32 v3, v9;
	_ =	sdelay $0x3  }
0x13d: {  	[tilespmem:s5+$0xFFFFFFE0] =	vst v8  }
0x13e: {  	v8 =	vld.idx.msk [tilespmem:v60+s2+$0x0], $0xffff  }
0x13f: {  	v61 =	vadd.s32 v4, v9;
	_ =	sdelay $0x3  }
0x140: {  	[tilespmem:s5+$0xFFFFFFF0] =	vst v8  }
0x141: {  	v8 =	vld.idx.msk [tilespmem:v61+s2+$0x0], $0xffff  }
0x142: {  	v62 =	vadd.s32 v5, v9;
	_ =	sdelay $0x3  }
0x143: {  	[tilespmem:s5+$0x0] =	vst v8  }
0x144: {  	v8 =	vld.idx.msk [tilespmem:v62+s2+$0x0], $0xffff  }
0x145: {  	v63 =	vadd.s32 v6, v9;
	_ =	sdelay $0x3  }
0x146: {  	[tilespmem:s5+$0x10] =	vst v8  }
0x147: {  	v8 =	vld.idx.msk [tilespmem:v63+s2+$0x0], $0xffff  }
0x148: {  	v9 =	vadd.s32 v7, v9;
	_ =	sdelay $0x3  }
0x149: {  	[tilespmem:s5+$0x20] =	vst v8  }
0x14a: {  	v8 =	vld.idx.msk [tilespmem:v9+s2+$0x0], $0xffff;
	_ =	sdelay $0x3  }
0x14b: {  	p0 =	por $0x1, $0x1  }
0x14c: {  	p0 =	por p0, p0;
	[tilespmem:s5+$0x30] =	vst v8  }
0x14d: {  	[tilespmem:s11], [sflag:$0x1] =	stream.indirect.gather [hbm4b:s4+s9], $0x40, s10, s9, $0xb8;
	[tilespmem:$0xD500] =	vst v63  }
0x14e: {  	s0 =	simm.s32 @!p0 $0x8  }
0x14f: {  	[tilespmem:s13], [sflag:$0x2] =	stream.indirect.gather [hbm4b:s4+s9], $0x40, s12, s9, $0xb8;
	[tilespmem:$0xD500] =	vst v63  }
0x150: {  	_ =	swait.ge @!p0 [sflag:s0], $0x2000  }
0x151: {  	[sflag:s0] =	ssyncset.done @!p0 $0x0  }
0x152: {  	s6 =	simm.s32 $0x1D00;
	[sflag:s0] =	ssyncadd.s32 @!p0 $0xFFFFE000  }
0x153: {  	[tilespmem:s14], [sflag:$0x3] =	stream.indirect.gather [hbm4b:s4+s9], $0x40, s6, s9, $0xb8;
	[tilespmem:$0xD500] =	vst v63  }
0x154: {  	_ =	swait.ge [sflag:s15], $0x2000  }
0x155: {  	s1 =	rddreg [dreg:$0xc];
	[sflag:s15] =	ssyncset.done $0x0  }
0x156: {  	[sflag:s15] =	ssyncadd.s32 $0xFFFFE000;
	s0 =	sadd.s32 $0x0, s1;
	s1 =	simm.s32 @!p0 $0x9  }
0x157: {  	[hbm4b:s0+s2] =	stream.linear.scatter [tilespmem:s11], [sflag:$0x6], $0x2000, $0x38;
	[tilespmem:$0xD500] =	vst v63  }
0x158: {  	_ =	swait.ge @!p0 [sflag:s1], $0x2000  }
0x159: {  	[sflag:s1] =	ssyncset.done @!p0 $0x0  }
0x15a: {  	s5 =	simm.s32 $0x1D80;
	[sflag:s1] =	ssyncadd.s32 @!p0 $0xFFFFE000  }
0x15b: {  	[tilespmem:s16], [sflag:$0x4] =	stream.indirect.gather [hbm4b:s4+s9], $0x40, s5, s9, $0xb8;
	[tilespmem:$0xD500] =	vst v63  }
0x15c: {  	_ =	swait.ge [sflag:s17], $0x2000  }
0x15d: {  	s6 =	rddreg [dreg:$0xb];
	[sflag:s17] =	ssyncset.done $0x0  }
0x15e: {  	s1 =	simm.s32 @!p0 $0xA;
	[sflag:s17] =	ssyncadd.s32 $0xFFFFE000;
	s0 =	sadd.s32 $0x0, s6  }
0x15f: {  	[hbm4b:s0+s2] =	stream.linear.scatter [tilespmem:s13], [sflag:$0x7], $0x2000, $0x38;
	[tilespmem:$0xD500] =	vst v63  }
0x160: {  	_ =	swait.ge @!p0 [sflag:s1], $0x2000  }
0x161: {  	[sflag:s1] =	ssyncset.done @!p0 $0x0  }
0x162: {  	[sflag:s1] =	ssyncadd.s32 @!p0 $0xFFFFE000;
	s1 =	simm.s32 $0x1E00  }
0x163: {  	[tilespmem:s18], [sflag:$0x5] =	stream.indirect.gather [hbm4b:s4+s9], $0x40, s1, s9, $0xb8;
	[tilespmem:$0xD500] =	vst v63  }
0x164: {  	_ =	swait.ge [sflag:s19], $0x2000  }
0x165: {  	s5 =	rddreg [dreg:$0xa];
	[sflag:s19] =	ssyncset.done $0x0  }
0x166: {  	[sflag:s19] =	ssyncadd.s32 $0xFFFFE000;
	s0 =	sadd.s32 $0x0, s5  }
0x167: {  	[hbm4b:s0+s2] =	stream.linear.scatter [tilespmem:s14], [sflag:$0x8], $0x2000, $0x38;
	[tilespmem:$0xD500] =	vst v63  }
0x168: {  	p0 =	por $0x0, $0x0;
	_ =	swait.ge [sflag:s20], $0x2000  }
0x169: {  	s1 =	simm.s32 @!p0 $0x80;
	[sflag:s20] =	ssyncset.done $0x0  }
0x16a: {  	s5 =	simm.s32 @!p0 $0x3500;
	s0 =	simm.s32 @!p0 $0x1E80;
	[sflag:s20] =	ssyncadd.s32 $0xFFFFE000  }
0x16b: {  	[tilespmem:s5], [sflag:$0x1] =	stream.indirect.gather @!p0 [hbm4b:s4+s1], $0x40, s0, s1, $0xb8;
	[tilespmem:$0xD500] =	vst v63  }
0x16c: {  	_ =	swait.ge [sflag:s21], $0x2000  }
0x16d: {  	s6 =	rddreg [dreg:$0x9];
	[sflag:s21] =	ssyncset.done $0x0  }
0x16e: {  	[sflag:s21] =	ssyncadd.s32 $0xFFFFE000;
	s0 =	sadd.s32 $0x0, s6  }
0x16f: {  	[hbm4b:s0+s2] =	stream.linear.scatter [tilespmem:s16], [sflag:$0x9], $0x2000, $0x38;
	[tilespmem:$0xD500] =	vst v63  }
0x170: {  	_ =	swait.ge [sflag:s22], $0x2000  }
0x171: {  	s31 =	simm.s32 $0x0;
	s29 =	simm.s32 $0x28000;
	[sflag:s22] =	ssyncset.done $0x0  }
0x172: {  	s5 =	simm.s32 @!p0 $0x5500;
	s0 =	simm.s32 $0x1F00;
	[sflag:s22] =	ssyncadd.s32 $0xFFFFE000  }
0x173: {  	[tilespmem:s5], [sflag:$0x2] =	stream.indirect.gather @!p0 [hbm4b:s4+s1], $0x40, s0, s1, $0xb8;
	[tilespmem:$0xD500] =	vst v63  }
0x174: {  	p6 =	por $0x0, $0x0;
	s30 =	simm.s32 $0x2180;
	_ =	swait.ge [sflag:s23], $0x2000  }
0x175: {  	s0 =	simm.s32 $0x50000;
	p0 =	por p6, p6;
	[sflag:s23] =	ssyncset.done $0x0  }
0x176: {  	s1 =	simm.s32 @!p0 $0x8;
	s5 =	rddreg [dreg:$0x8];
	[sflag:s23] =	ssyncadd.s32 $0xFFFFE000  }
.LBB2_8:
0x177: {  	s5 =	sadd.s32 s31, s5  }
0x178: {  	[hbm4b:s5+s2] =	stream.linear.scatter [tilespmem:s18], [sflag:$0xA], $0x2000, $0x38;
	[tilespmem:$0xD500] =	vst v63  }
0x179: {  	_ =	swait.ge @!p0 [sflag:s1], $0x2000  }
0x17a: {  	[sflag:s1] =	ssyncset.done @!p0 $0x0  }
0x17b: {  	s6 =	sadd.s32 $0xFFFFFE00, s30;
	[sflag:s1] =	ssyncadd.s32 @!p0 $0xFFFFE000  }
0x17c: {  	[tilespmem:s14], [sflag:$0x3] =	stream.indirect.gather [hbm4b:s4+s9], $0x40, s6, s9, $0xb8;
	[tilespmem:$0xD500] =	vst v63  }
0x17d: {  	_ =	swait.ge [sflag:s15], $0x2000  }
0x17e: {  	s31 =	smov.u32 s29;
	s5 =	rddreg [dreg:$0xc];
	[sflag:s15] =	ssyncset.done $0x0  }
0x17f: {  	[sflag:s15] =	ssyncadd.s32 $0xFFFFE000;
	s1 =	sadd.s32 s31, s5;
	s5 =	simm.s32 @!p0 $0x9  }
0x180: {  	[hbm4b:s1+s2] =	stream.linear.scatter [tilespmem:s11], [sflag:$0x6], $0x2000, $0x38;
	[tilespmem:$0xD500] =	vst v63  }
0x181: {  	_ =	swait.ge @!p0 [sflag:s5], $0x2000  }
0x182: {  	[sflag:s5] =	ssyncset.done @!p0 $0x0  }
0x183: {  	s6 =	sadd.s32 $0xFFFFFE80, s30;
	[sflag:s5] =	ssyncadd.s32 @!p0 $0xFFFFE000  }
0x184: {  	[tilespmem:s16], [sflag:$0x4] =	stream.indirect.gather [hbm4b:s4+s9], $0x40, s6, s9, $0xb8;
	[tilespmem:$0xD500] =	vst v63  }
0x185: {  	_ =	swait.ge [sflag:s17], $0x2000  }
0x186: {  	s5 =	rddreg [dreg:$0xb];
	[sflag:s17] =	ssyncset.done $0x0  }
0x187: {  	[sflag:s17] =	ssyncadd.s32 $0xFFFFE000;
	s1 =	sadd.s32 s31, s5;
	s5 =	simm.s32 @!p0 $0xA  }
0x188: {  	[hbm4b:s1+s2] =	stream.linear.scatter [tilespmem:s13], [sflag:$0x7], $0x2000, $0x38;
	[tilespmem:$0xD500] =	vst v63  }
0x189: {  	_ =	swait.ge @!p0 [sflag:s5], $0x2000  }
0x18a: {  	[sflag:s5] =	ssyncset.done @!p0 $0x0  }
0x18b: {  	s6 =	sadd.s32 $0xFFFFFF00, s30;
	[sflag:s5] =	ssyncadd.s32 @!p0 $0xFFFFE000  }
0x18c: {  	[tilespmem:s18], [sflag:$0x5] =	stream.indirect.gather [hbm4b:s4+s9], $0x40, s6, s9, $0xb8;
	[tilespmem:$0xD500] =	vst v63  }
0x18d: {  	_ =	swait.ge [sflag:s19], $0x2000  }
0x18e: {  	s5 =	rddreg [dreg:$0xa];
	[sflag:s19] =	ssyncset.done $0x0  }
0x18f: {  	p2 =	seq.s32 s0, $0x0;
	[sflag:s19] =	ssyncadd.s32 $0xFFFFE000;
	s1 =	sadd.s32 s31, s5  }
0x190: {  	[hbm4b:s1+s2] =	stream.linear.scatter [tilespmem:s14], [sflag:$0x8], $0x2000, $0x38;
	[tilespmem:$0xD500] =	vst v63  }
0x191: {  	p0 =	por p2, p2;
	p2 =	seq.s32 s31, $0x168000;
	_ =	swait.ge [sflag:s20], $0x2000  }
0x192: {  	s6 =	simm.s32 @!p2 $0x3500;
	[sflag:s20] =	ssyncset.done $0x0  }
0x193: {  	s5 =	simm.s32 @!p2 $0x80;
	s1 =	sadd.s32 @!p2 $0xFFFFFF80, s30;
	[sflag:s20] =	ssyncadd.s32 $0xFFFFE000  }
0x194: {  	[tilespmem:s6], [sflag:$0x1] =	stream.indirect.gather @!p2 [hbm4b:s4+s5], $0x40, s1, s5, $0xb8;
	[tilespmem:$0xD500] =	vst v63  }
0x195: {  	_ =	swait.ge [sflag:s21], $0x2000  }
0x196: {  	s6 =	rddreg [dreg:$0x9];
	[sflag:s21] =	ssyncset.done $0x0  }
0x197: {  	[sflag:s21] =	ssyncadd.s32 $0xFFFFE000;
	s1 =	sadd.s32 s31, s6  }
0x198: {  	[hbm4b:s1+s2] =	stream.linear.scatter [tilespmem:s16], [sflag:$0x9], $0x2000, $0x38;
	[tilespmem:$0xD500] =	vst v63  }
0x199: {  	s29 =	smov.u32 s0;
	s0 =	sadd.s32 $0x28000, s0;
	_ =	swait.ge [sflag:s22], $0x2000  }
0x19a: {  	p1 =	sne.s32 s0, $0x190000;
	[sflag:s22] =	ssyncset.done $0x0  }
.Ltmp3:
0x19b: {  	s1 =	simm.s32 @!p2 $0x5500;
	[sflag:s22] =	ssyncadd.s32 $0xFFFFE000;
	(pc) =	sbr.rel @p1 .LBB2_8-.Ltmp3, $4  }
0x19c: {  	[tilespmem:s1], [sflag:$0x2] =	stream.indirect.gather @!p2 [hbm4b:s4+s5], $0x40, s30, s5, $0xb8;
	[tilespmem:$0xD500] =	vst v63  }
0x19d: {  	_ =	swait.ge [sflag:s23], $0x2000  }
0x19e: {  	s1 =	simm.s32 @!p0 $0x8;
	[sflag:s23] =	ssyncset.done $0x0  }
0x19f: {  	s30 =	sadd.s32 $0x280, s30;
	s5 =	rddreg [dreg:$0x8];
	[sflag:s23] =	ssyncadd.s32 $0xFFFFE000  }
0x1a0: {  	s0 =	sadd.s32 s31, s5  }
0x1a1: {  	[hbm4b:s0+s2] =	stream.linear.scatter [tilespmem:s18], [sflag:$0xA], $0x2000, $0x38;
	[tilespmem:$0xD500] =	vst v63  }
0x1a2: {  	_ =	swait.ge @!p0 [sflag:s1], $0x2000  }
0x1a3: {  	[sflag:s1] =	ssyncset.done @!p0 $0x0  }
0x1a4: {  	[sflag:s1] =	ssyncadd.s32 @!p0 $0xFFFFE000;
	s1 =	sadd.s32 $0xFFFFFE00, s30  }
0x1a5: {  	[tilespmem:s14], [sflag:$0x3] =	stream.indirect.gather [hbm4b:s4+s9], $0x40, s1, s9, $0xb8;
	[tilespmem:$0xD500] =	vst v63  }
0x1a6: {  	_ =	swait.ge [sflag:s15], $0x2000  }
0x1a7: {  	s5 =	rddreg [dreg:$0xc];
	[sflag:s15] =	ssyncset.done $0x0  }
0x1a8: {  	s1 =	simm.s32 @!p0 $0x9;
	[sflag:s15] =	ssyncadd.s32 $0xFFFFE000;
	s0 =	sadd.s32 s29, s5  }
0x1a9: {  	[hbm4b:s0+s2] =	stream.linear.scatter [tilespmem:s11], [sflag:$0x6], $0x2000, $0x38;
	[tilespmem:$0xD500] =	vst v63  }
0x1aa: {  	_ =	swait.ge @!p0 [sflag:s1], $0x2000  }
0x1ab: {  	[sflag:s1] =	ssyncset.done @!p0 $0x0  }
0x1ac: {  	s6 =	sadd.s32 $0xFFFFFE80, s30;
	[sflag:s1] =	ssyncadd.s32 @!p0 $0xFFFFE000  }
0x1ad: {  	[tilespmem:s16], [sflag:$0x4] =	stream.indirect.gather [hbm4b:s4+s9], $0x40, s6, s9, $0xb8;
	[tilespmem:$0xD500] =	vst v63  }
0x1ae: {  	_ =	swait.ge [sflag:s17], $0x2000  }
0x1af: {  	s31 =	rddreg [dreg:$0xb];
	[sflag:s17] =	ssyncset.done $0x0  }
0x1b0: {  	s1 =	simm.s32 @!p0 $0xA;
	[sflag:s17] =	ssyncadd.s32 $0xFFFFE000;
	s0 =	sadd.s32 s29, s31  }
0x1b1: {  	[hbm4b:s0+s2] =	stream.linear.scatter [tilespmem:s13], [sflag:$0x7], $0x2000, $0x38;
	[tilespmem:$0xD500] =	vst v63  }
0x1b2: {  	_ =	swait.ge @!p0 [sflag:s1], $0x2000  }
0x1b3: {  	[sflag:s1] =	ssyncset.done @!p0 $0x0  }
0x1b4: {  	[sflag:s1] =	ssyncadd.s32 @!p0 $0xFFFFE000;
	s1 =	sadd.s32 $0xFFFFFF00, s30  }
0x1b5: {  	[tilespmem:s18], [sflag:$0x5] =	stream.indirect.gather [hbm4b:s4+s9], $0x40, s1, s9, $0xb8;
	[tilespmem:$0xD500] =	vst v63  }
0x1b6: {  	_ =	swait.ge [sflag:s19], $0x2000  }
0x1b7: {  	s5 =	rddreg [dreg:$0xa];
	[sflag:s19] =	ssyncset.done $0x0  }
0x1b8: {  	[sflag:s19] =	ssyncadd.s32 $0xFFFFE000;
	s0 =	sadd.s32 s29, s5  }
0x1b9: {  	[hbm4b:s0+s2] =	stream.linear.scatter [tilespmem:s14], [sflag:$0x8], $0x2000, $0x38;
	[tilespmem:$0xD500] =	vst v63  }
0x1ba: {  	p0 =	seq.s32 s29, $0x168000;
	_ =	swait.ge [sflag:s20], $0x2000  }
0x1bb: {  	s1 =	simm.s32 @!p0 $0x80;
	[sflag:s20] =	ssyncset.done $0x0  }
0x1bc: {  	s5 =	simm.s32 @!p0 $0x3500;
	s0 =	sadd.s32 @!p0 $0xFFFFFF80, s30;
	[sflag:s20] =	ssyncadd.s32 $0xFFFFE000  }
0x1bd: {  	[tilespmem:s5], [sflag:$0x1] =	stream.indirect.gather @!p0 [hbm4b:s4+s1], $0x40, s0, s1, $0xb8;
	[tilespmem:$0xD500] =	vst v63  }
0x1be: {  	_ =	swait.ge [sflag:s21], $0x2000  }
0x1bf: {  	s6 =	rddreg [dreg:$0x9];
	[sflag:s21] =	ssyncset.done $0x0  }
0x1c0: {  	[sflag:s21] =	ssyncadd.s32 $0xFFFFE000;
	s0 =	sadd.s32 s29, s6  }
0x1c1: {  	[hbm4b:s0+s2] =	stream.linear.scatter [tilespmem:s16], [sflag:$0x9], $0x2000, $0x38;
	[tilespmem:$0xD500] =	vst v63  }
0x1c2: {  	_ =	swait.ge [sflag:s22], $0x2000  }
0x1c3: {  	[sflag:s22] =	ssyncset.done $0x0  }
0x1c4: {  	s0 =	simm.s32 @!p0 $0x5500;
	[sflag:s22] =	ssyncadd.s32 $0xFFFFE000  }
0x1c5: {  	[tilespmem:s0], [sflag:$0x2] =	stream.indirect.gather @!p0 [hbm4b:s4+s1], $0x40, s30, s1, $0xb8;
	[tilespmem:$0xD500] =	vst v63  }
0x1c6: {  	_ =	swait.ge [sflag:s23], $0x2000  }
0x1c7: {  	s31 =	rddreg [dreg:$0x8];
	[sflag:s23] =	ssyncset.done $0x0  }
0x1c8: {  	[sflag:s23] =	ssyncadd.s32 $0xFFFFE000;
	s0 =	sadd.s32 s29, s31  }
0x1c9: {  	[hbm4b:s0+s2] =	stream.linear.scatter [tilespmem:s18], [sflag:$0xA], $0x2000, $0x38;
	[tilespmem:$0xD500] =	vst v63  }
0x1ca: {  	_ =	swait.ge [sflag:s24], $0x2000  }
0x1cb: {  	[sflag:s24] =	ssyncset.done $0x0  }
0x1cc: {  	s28 =	sadd.s32 $0x1, s28;
	[sflag:s24] =	ssyncadd.s32 $0xFFFFE000  }
0x1cd: {  	p0 =	sne.s32 s28, s7;
	_ =	swait.ge [sflag:s25], $0x2000  }
.Ltmp4:
0x1ce: {  	[sflag:s25] =	ssyncset.done $0x0;
	(pc) =	sbr.rel @p0 .LBB2_1-.Ltmp4, $4  }
0x1cf: {  	[sflag:s25] =	ssyncadd.s32 $0xFFFFE000  }
0x1d0: {  	_ =	swait.ge [sflag:s26], $0x2000  }
0x1d1: {  	[sflag:s26] =	ssyncset.done $0x0  }
0x1d2: {  	[sflag:s26] =	ssyncadd.s32 $0xFFFFE000  }
0x1d3: {  	_ =	sfence.sel $0x180000  }
0x1d4: {  	[bflag:$0x0] =	sbarrier.arrive $0xFFFF  }
0x1d5: {  	_ =	strace $0x90000047  }
0x1d6: {  	s0 =	stileid.u32;
	[bflag:$0x2] =	sbarrier.arrive $0xFFFF  }
0x1d7: {  	p0 =	sne.s32 s0, $0x0;
	s0 =	rddreg [dreg:$0x2]  }
0x1d8: {  	s0 =	sadd.s32 @!p0 $0x100000, s0  }
0x1d9: {  	[sflag:s0] =	ssyncadd.tile.s32 @!p0 $0x1;
	_ =	shalt  }
.Lfunc_end2:
_tile_overlayer_lowered:
.L_overlay_start_2:
0x1da: {  	(tag) =	ssettag $0x2  }
0x1db: {  	s0 =	rddreg [dreg:$0x0];
	s2 =	stileid.u32  }
0x1dc: {  	s1 =	rddreg [dreg:$0x1];
	p0 =	sne.s32 s2, $0x0  }
0x1dd: {  	s3 =	rddreg [dreg:$0x2];
	[bflag:$0x3] =	sbarrier.arrive $0xFFFF;
	s2 =	simm.s32 @!p0 $0x1C0B  }
0x1de: {  	[timem:s3], [sflag:s2] =	dma.local @!p0 [hbm:s0], s1  }
0x1df: {  	s0 =	simm.s32 @!p0 $0xB  }
0x1e0: {  	_ =	swait.ge @!p0 [sflag:s0], s1  }
0x1e1: {  	s1 =	ssub.s32 @!p0 $0x0, s1;
	[sflag:s0] =	ssyncset.done @!p0 $0x0  }
0x1e2: {  	[sflag:s0] =	ssyncadd.s32 @!p0 s1  }
0x1e3: {  	[bflag:$0x3] =	sbarrier.arrive $0xFFFF  }
0x1e4: {  	_ =	shalt  }

// kernel: sparse-core-data-format-call.cloned.1.call-start
scs
called_computation_lowered:
.L_overlay_start_0:
0x0: {  	s2 =	sld [smem:$0x3FD9]  }
0x1: {  	s3 =	sld [smem:$0x3FFE];
	_ =	sdelay $0x1  }
0x2: {  	s1 =	srdreg.scid  }
0x3: {  	s0 =	sand.u32 $0x1, s1  }
0x4: {  	s18 =	sshll.u32 s0, $0xA;
	s2 =	sadd.s32 s3, s2  }
0x5: {  	s2 =	sadd.s32 s2, s18  }
0x6: {  	[smem:$0x3FC4] =	sst s2  }
0x7: {  	_ = 	snop  }
0x8: {  	s2 =	sld [smem:$0x3FD0];
	(tm) =	ssettm $0x1  }
0x9: {  	s19 =	sld [smem:$0x3FFB];
	_ =	sdelay $0x3  }
0xa: {  	_ =	strace s19  }
0xb: {  	s3 =	sld [smem:$0x3FFC];
	_ =	sdelay $0x3  }
0xc: {  	_ =	strace s3  }
0xd: {  	s3 =	sld [smem:$0x3FFD];
	_ =	sdelay $0x3  }
0xe: {  	_ =	strace s3  }
0xf: {  	_ =	strace $0x8FFFFFFF  }
0x10: {  	s20 =	sld [smem:$0x3FDB];
	_ =	sdelay $0x1  }
0x11: {  	s4 =	simm.s32 $_scs_section_size  }
0x12: {  	s5 =	simm.s32 $_size__tile_overlayer_lowered;
	s6 =	simm.s32 $_tile_overlayer_lowered  }
0x13: {  	s23 =	simm.s32 $0x1BFF;
	s22 =	sshll.u32 s6, $0x1;
	s3 =	sadd.s32 s4, s20  }
0x14: {  	s7 =	simm.s32 $0x0;
	s21 =	sshll.u32 s5, $0x1;
	s5 =	sadd.s32 s22, s3  }
0x15: {  	[timem:s7], [sflag:s23] =	dma.local [hbm:s5], s21  }
0x16: {  	_ =	swait.ge [sflag:s23], s21  }
0x17: {  	s4 =	ssub.s32 $0x0, s21;
	[sflag:s23] =	ssyncset.done $0x0  }
0x18: {  	[sflag:s23] =	ssyncadd.s32 s4;
	_ =	sdelay $0x1  }
0x19: {  	s24 =	simm.s32 $0x1B8B  }
0x1a: {  	_ =	swait.ge [sflag:s24], $0x1  }
0x1b: {  	[sflag:s24] =	ssyncset.done $0x0  }
0x1c: {  	s26 =	simm.s32 $0x1B8E;
	s25 =	sld [smem:$0x3FFE];
	[sflag:s24] =	ssyncadd.s32 $0xFFFFFFFF  }
0x1d: {  	s27 =	simm.s32 $execute0_lowered;
	[smem:$0x3FD2] =	sst s26  }
0x1e: {  	s5 =	sshll.u32 s27, $0x1;
	_ =	strace $0x80000049;
	[dreg:$0x1] =	wrdreg $0xFFFFFFFF  }
0x1f: {  	s28 =	simm.s32 $_size_execute0_lowered;
	s3 =	sadd.s32 s3, s5;
	[dreg:$0x0] =	wrdreg $0x0  }
0x20: {  	s5 =	sshll.u32 s28, $0x1;
	[dreg:$0x2] =	wrdreg s3  }
0x21: {  	[dreg:$0x3] =	wrdreg s5  }
0x22: {  	[dreg:$0x4] =	wrdreg $0xC0  }
0x23: {  	_ =	task [dreg:s7], $0x5FFFF  }
0x24: {  	[dreg:$0x1] =	wrdreg $0xFFFFFFFF  }
0x25: {  	[dreg:$0x0] =	wrdreg $0x60  }
0x26: {  	[dreg:$0x2] =	wrdreg s25  }
0x27: {  	[dreg:$0x3] =	wrdreg s2  }
0x28: {  	[dreg:$0x4] =	wrdreg $0x9  }
0x29: {  	_ =	task.clear_ibuf [dreg:s7], $0x5FFFF;
	_ =	strace $0x90000049  }
0x2a: {  	s29 =	simm.s32 $0x9;
	_ =	strace $0x8000004B  }
0x2b: {  	_ =	swait.ge [sflag:s29], $0x1  }
0x2c: {  	[sflag:s29] =	ssyncadd.s32 $0xFFFFFFFF  }
0x2d: {  	_ =	strace $0x9000004B  }
0x2e: {  	_ =	sfence  }
0x2f: {  	s30 =	sld [smem:$0x0];
	_ =	sdelay $0x2  }
0x30: {  	s31 =	sshll.u32 s1, $0xD;
	s1 =	sshrl.u32 s1, $0x2  }
0x31: {  	s3 =	sand.u32 $0x4000, s31;
	s1 =	sadd.s32 s1, s30  }
0x32: {  	s0 =	sor.u32 s3, s0;
	s1 =	sshll.u32 s1, $0x11  }
0x33: {  	s0 =	sor.u32 s1, s0  }
0x34: {  	s0 =	sadd.s32 $0x8F2B, s0  }
0x35: {  	[sflag:s0] =	ssyncadd.remote.s32 $0x1  }
0x36: {  	_ =	sfence.sel $0xFFFF  }
0x37: {  	[dreg:$0x0] =	wrdreg $0xFFFFFFFF;
	(pc) =	sbr.abs _section_cstart, $3  }
0x38: {  	[dreg:$0x1] =	wrdreg $0xFFFFFFFF  }
0x39: {  	_ =	task.clear_ibuf [dreg:s7], $0x2FFFF;
	_ =	strace $0x9FFFFFFF  }
0x3a: {  	(tm) =	ssettm $0x7FFFFFFF  }
0x3b: {  	_ =	shalt  }
tec
execute0_lowered:
.L_overlay_start_1:
0x0: {  	(tag) =	ssettag $0x1  }
0x1: {  	s0 =	stileid.u32;
	s1 =	srdreg.scid  }
0x2: {  	s2 =	sshll.u32 s0, $0x6;
	s1 =	sshll.u32 s1, $0xA  }
0x3: {  	s1 =	sor.u32 s2, s1  }
0x4: {  	s8 =	rddreg [dreg:$0x0];
	s9 =	simm.s32 $0x2;
	s1 =	sand.u32 $0x780, s1  }
0x5: {  	s15 =	simm.s32 $0x0;
	s2 =	sand.u32 $0x1, s0;
	s3 =	ssub.s32 $0x1000, s1  }
0x6: {  	s10 =	simm.s32 $0x8000;
	s4 =	ssub.s32 $0x2, s2;
	s5 =	sand.u32 $0x780, s3  }
0x7: {  	s6 =	sshrl.u32 s4, $0x1;
	p0 =	sne.s32 s5, $0x0;
	s5 =	simm.s32 $0x1  }
0x8: {  	s7 =	sand.u32 $0x1, s4;
	s3 =	sshrl.u32 s3, $0xB;
	s5 =	simm.s32 @!p0 $0x0  }
0x9: {  	s16 =	simm.s32 $0x0;
	s6 =	sadd.s32 s7, s6;
	s5 =	sadd.s32 s5, s3  }
0xa: {  	s17 =	simm.s32 $0x0;
	s12 =	simm.s32 $0x0;
	s6 =	smul.u32 s5, s6  }
.Ltmp0:
0xb: {  	s14 =	simm.s32 $0x0;
	s4 =	rddreg [dreg:$0x1];
	(pc) =	sbr.rel .LBB1_1-.Ltmp0, $4  }
0xc: {  	s13 =	smov.u32 s2;
	s11 =	smov.u32 s1;
	s3 =	rddreg [dreg:$0x2]  }
0xd: {  	_ =	strace $0x8000004A;
	s5 =	simm.s32 $0x1;
	s6 =	smul.u32 $0x19, s6  }
0xe: {  	s7 =	sadd.s32 $0x2400, s8;
	s8 =	sadd.s32 $0x12400, s8;
	[sflag:s5] =	ssyncpa.u1 $0x0  }
0xf: {  	p0 =	por $0x0, $0x0;
	[sflag:s9] =	ssyncpa.u1 $0x0;
	s9 =	sadd.s32 $0x1, s6  }
.LBB1_7:
0x10: {  	s18 =	sadd.s32 $0x800, s11  }
0x11: {  	s15 =	sadd.s32 $0x2, s12;
	s19 =	smov.u32 s12;
	p2 =	sgt.s32 s18, $0xFFF  }
0x12: {  	s19 =	smov.u32 @p2 s15  }
0x13: {  	s21 =	smov.u32 s13;
	s15 =	sadd.s32 $0x2, s13;
	p3 =	sgt.s32 s19, $0x31  }
0x14: {  	s21 =	smov.u32 @p3 s15  }
0x15: {  	s18 =	smov.u32 @p2 s1;
	p2 =	sgt.s32 s21, $0x1  }
0x16: {  	p1 =	slt.u32 s14, $0x2;
	s21 =	smov.u32 @p2 s2;
	p2 =	sne.s32 s14, s9  }
.Ltmp1:
0x17: {  	s20 =	simm.s32 @!p1 $0x2;
	(pc) =	sbr.rel @!p2 .LBB1_8-.Ltmp1, $4  }
0x18: {  	s16 =	smov.u32 s12;
	s17 =	smov.u32 s13;
	_ =	swait.ge @!p1 [sflag:s20], $0x4000  }
0x19: {  	p0 =	por !p0, !p0;
	[sflag:s20] =	ssyncset.done @!p1 $0x0;
	s19 =	simm.s32 @p3 $0x0  }
0x1a: {  	s15 =	smov.u32 s11;
	[sflag:s20] =	ssyncadd.s32 @!p1 $0xFFFFC000;
	s11 =	smov.u32 s18  }
0x1b: {  	s12 =	smov.u32 s19;
	s14 =	sadd.s32 $0x1, s14;
	s13 =	smov.u32 s21  }
.LBB1_1:
0x1c: {  	p1 =	sge.u32 s14, s6  }
0x1d: {  	s18 =	smul.u32 @!p1 $0x320000, s13;
	s19 =	sxor.u32 @!p1 $0xFFFFFFFF, s14  }
0x1e: {  	s20 =	sshll.u32 @!p1 s12, $0x10;
	s22 =	sshll.u32 @!p1 s11, $0x4;
	s23 =	simm.s32 @!p1 $0x40  }
0x1f: {  	s24 =	simm.s32 @!p1 $0x80;
	s19 =	sshll.u32 @!p1 s19, $0xE;
	s21 =	sadd.s32 @!p1 s18, s20  }
0x20: {  	s22 =	sand.u32 @!p1 $0xFFF0, s22;
	s18 =	sadd.s32 @!p1 s18, s8;
	s21 =	sadd.s32 @!p1 s7, s21  }
0x21: {  	s19 =	sand.u32 @!p1 $0x4000, s19;
	s18 =	sadd.s32 @!p1 s20, s18;
	s21 =	sadd.s32 @!p1 s22, s21  }
0x22: {  	[tilespmem:s19], [sflag:$0x1] =	stream.strided.gather @!p1 [hbm4b:s21+s23], $0x2000, s24, s23, $0x38;
	[tilespmem:$0x10100] =	vst v63  }
0x23: {  	s31 =	sadd.s32 $0xFFFFFFFF, s14;
	s18 =	sadd.s32 @!p1 s22, s18;
	s19 =	sor.u32 @!p1 $0x2000, s19  }
0x24: {  	[tilespmem:s19], [sflag:$0x1] =	stream.strided.gather @!p1 [hbm4b:s18+s23], $0x2000, s24, s23, $0x38;
	[tilespmem:$0x10100] =	vst v63  }
0x25: {  	p1 =	sge.u32 s31, s6  }
.Ltmp2:
0x26: {  	_ = 	snop;
	(pc) =	sbr.rel @p1 .LBB1_7-.Ltmp2, $1  }
0x27: {  	_ =	sdelay $0x3  }
0x28: {  	s18 =	simm.s32 $0x1;
	s20 =	sand.u32 $0x1, s14  }
0x29: {  	_ =	swait.ge [sflag:s5], $0x4000;
	s18 =	simm.s32 @!p0 $0x0;
	s20 =	smul.u32 $0x10200, s20  }
0x2a: {  	p2 =	por $0x1, $0x1;
	[sflag:s5] =	ssyncset.done $0x0;
	s19 =	smul.u32 $0x10200, s18  }
0x2b: {  	s21 =	sshll.u32 s18, $0x10;
	[sflag:s5] =	ssyncadd.s32 $0xFFFFC000;
	s30 =	sshrl.u32 s20, $0x2  }
0x2c: {  	s31 =	sshrl.u32 s21, $0x2;
	s21 =	simm.s32 $0x0;
	s19 =	sshrl.u32 s19, $0x2  }
0x2d: {  	s18 =	sor.u32 $0x8000, s30;
	s20 =	sadd.s32 $0x20, s31;
	s19 =	sor.u32 $0x8000, s19  }
.LBB1_3:
0x2e: {  	s22 =	sshll.u32 s21, $0xD  }
0x2f: {  	s22 =	sand.u32 $0x3FFFE000, s22  }
0x30: {  	s24 =	sadd.s32 s22, s20  }
0x31: {  	s31 =	smul.u32 $0x8100, s21;
	v3 =	vld [tilespmem:s24+$0x10]  }
0x32: {  	v1 =	vld [tilespmem:s24+$0xFFFFFFF0]  }
0x33: {  	s21 =	sshra.s32 s31, $0x2;
	v0 =	vld [tilespmem:s24+$0x0]  }
0x34: {  	s21 =	sadd.s32 s21, s19;
	v2 =	vld [tilespmem:s24+$0xFFFFFFE0]  }
0x35: {  	s22 =	sadd.s32 $0x0, s21  }
0x36: {  	p1 =	por p2, p2;
	s23 =	simm.s32 $0x4;
	s24 =	sadd.s32 $0x40, s24;
	[tilespmem:s22+$0x1830 ss:$0x81] =	vst.msk $0xffff, v3  }
.LBB1_4:
0x37: {  	v3 =	vld [tilespmem:s24+$0x10];
	p2 =	sne.s32 s23, $0x1FC;
	[tilespmem:s22+$0x810 ss:$0x81] =	vst.msk $0xffff, v1;
	s25 =	smov.u32 s23;
	s23 =	sadd.s32 $0x4, s23  }
.Ltmp3:
0x38: {  	v1 =	vld [tilespmem:s24+$0xFFFFFFF0];
	[tilespmem:s22+$0x1020 ss:$0x81] =	vst.msk $0xffff, v0;
	(pc) =	sbr.rel @p2 .LBB1_4-.Ltmp3, $4  }
0x39: {  	v0 =	vld [tilespmem:s24+$0x0];
	[tilespmem:s22+$0x0 ss:$0x81] =	vst.msk $0xffff, v2  }
0x3a: {  	s22 =	sshra.s32 s25, $0x2;
	v2 =	vld [tilespmem:s24+$0xFFFFFFE0]  }
0x3b: {  	s22 =	sadd.s32 s22, s21  }
0x3c: {  	s24 =	sadd.s32 $0x40, s24;
	[tilespmem:s22+$0x1830 ss:$0x81] =	vst.msk $0xffff, v3  }
.Ltmp4:
0x3d: {  	(pc) =	sbr.rel @p1 .LBB1_3-.Ltmp4, $4  }
0x3e: {  	_ = 	snop  }
0x3f: {  	[tilespmem:s22+$0x810 ss:$0x81] =	vst.msk $0xffff, v1  }
0x40: {  	[tilespmem:s22+$0x1020 ss:$0x81] =	vst.msk $0xffff, v0  }
0x41: {  	s21 =	simm.s32 $0x1;
	p2 =	por $0x0, $0x0;
	[tilespmem:s22+$0x0 ss:$0x81] =	vst.msk $0xffff, v2  }
0x42: {  	s19 =	sshll.u32 s15, $0x3;
	s17 =	smul.u32 $0x190000, s17  }
0x43: {  	s20 =	sand.u32 $0x78, s15;
	s16 =	sshll.u32 s16, $0xF;
	s29 =	sand.u32 $0x7E00, s15  }
.Ltmp5:
0x44: {  	s19 =	sand.u32 $0xC00, s19;
	s17 =	sadd.s32 s4, s17;
	(pc) =	sbr.rel .LBB1_7-.Ltmp5, $4  }
0x45: {  	s30 =	sand.u32 $0x7, s15;
	s19 =	sor.u32 s20, s19;
	s16 =	sadd.s32 s16, s17  }
0x46: {  	s15 =	sshll.u32 s30, $0x12;
	s31 =	sshrl.u32 s19, $0x3;
	s16 =	sadd.s32 s29, s16  }
0x47: {  	s15 =	sor.u32 $0x400, s15;
	s16 =	sadd.s32 s31, s16  }
0x48: {  	[hbm4b:s16+s15] =	stream.strided.scatter [tilespmem:s18], [sflag:$0x2], $0x4000, s10, s15, $0x20;
	[tilespmem:$0x10100] =	vst v63  }
.LBB1_8:
0x49: {  	_ =	sfence.sel $0x180000  }
0x4a: {  	s1 =	simm.s32 $0x1;
	[bflag:$0x0] =	sbarrier.arrive $0xFFFF  }
0x4b: {  	s31 =	simm.s32 $0x2;
	[sflag:s1] =	ssyncpa.u1 $0x1  }
0x4c: {  	[sflag:s31] =	ssyncpa.u1 $0x1  }
0x4d: {  	p0 =	sne.s32 s0, $0x0;
	_ =	strace $0x9000004A  }
0x4e: {  	s0 =	sadd.s32 @!p0 $0x100000, s3;
	[bflag:$0x2] =	sbarrier.arrive $0xFFFF  }
0x4f: {  	[sflag:s0] =	ssyncadd.tile.s32 @!p0 $0x1;
	_ =	shalt  }
.Lfunc_end1:
_tile_overlayer_lowered:
.L_overlay_start_2:
0x50: {  	(tag) =	ssettag $0x2  }
0x51: {  	s0 =	rddreg [dreg:$0x0];
	s2 =	stileid.u32  }
0x52: {  	s1 =	rddreg [dreg:$0x1];
	p0 =	sne.s32 s2, $0x0  }
0x53: {  	s3 =	rddreg [dreg:$0x2];
	[bflag:$0x3] =	sbarrier.arrive $0xFFFF;
	s2 =	simm.s32 @!p0 $0x1C01  }
0x54: {  	[timem:s3], [sflag:s2] =	dma.local @!p0 [hbm:s0], s1  }
0x55: {  	s0 =	simm.s32 @!p0 $0x1  }
0x56: {  	_ =	swait.ge @!p0 [sflag:s0], s1  }
0x57: {  	s1 =	ssub.s32 @!p0 $0x0, s1;
	[sflag:s0] =	ssyncset.done @!p0 $0x0  }
0x58: {  	[sflag:s0] =	ssyncadd.s32 @!p0 s1  }
0x59: {  	[bflag:$0x3] =	sbarrier.arrive $0xFFFF  }
0x5a: {  	_ =	shalt  }

</sc_bundles>
